<compile_context>
chip_gen: v7x
topology: tpu7x:2x2x1
jax: 0.10.2.dev20260603
libtpu: 0.0.44.dev20260713+nightly
codegen_flags: <defaults>
</compile_context>

<pallas_src>
import functools

import jax
import jax.numpy as jnp
from jax import lax
from jax.experimental import pallas as pl
from jax.experimental.pallas import tpu as pltpu
from jax.experimental.pallas import tpu_sc as plsc

NTIME = 512
NCOMP = 16
MAX_EVENTS = 1024
D = 512
L = 4
H = 8
DH = D // H
DFF = 2048
TABW = 32



def _sc_event_build(xf, ztab, zmask):
    B = xf.shape[0]
    mesh = plsc.VectorSubcoreMesh(core_axis_name="c", subcore_axis_name="s")

    @functools.partial(
        pl.kernel,
        mesh=mesh,
        compiler_params=pltpu.CompilerParams(needs_layout_passes=False),
        out_type=(
            jax.ShapeDtypeStruct((B, MAX_EVENTS * TABW), jnp.float32),
            jax.ShapeDtypeStruct((B, MAX_EVENTS), jnp.float32),
        ),
        scratch_types=[
            pltpu.VMEM((NTIME * NCOMP,), jnp.float32),
            pltpu.VMEM((MAX_EVENTS * TABW,), jnp.float32),
            pltpu.VMEM((MAX_EVENTS,), jnp.float32),
        ],
    )
    def k(x_hbm, ztab_hbm, zmask_hbm, tab_hbm, mask_hbm, x_v, tab_v, msk_v):
        wid = lax.axis_index("s") * 2 + lax.axis_index("c")

        @pl.when(wid < B)
        def _():
            pltpu.sync_copy(x_hbm.at[wid], x_v)
            pltpu.sync_copy(ztab_hbm, tab_v)
            pltpu.sync_copy(zmask_hbm, msk_v)

            lanes = lax.iota(jnp.int32, 16)
            ones16 = jnp.ones((16,), jnp.float32)

            def body(t, carry):
                base, prev, last_start, last_rank = carry
                xv = x_v[pl.ds(t * 16, 16)]
                bits = (xv > 0.5).astype(jnp.int32)
                st = bits != prev
                sti = st.astype(jnp.int32)
                inc = plsc.cumsum(sti)
                rank = base + inc - sti
                valid = jnp.logical_and(st, rank < MAX_EVENTS)
                pm = jnp.logical_and(
                    st,
                    jnp.logical_and(last_rank >= 0, last_rank < MAX_EVENTS))
                durv = (t - last_start).astype(jnp.float32) * (1.0 / NTIME)
                plsc.store_scatter(tab_v, [last_rank * TABW + 18], durv,
                                   mask=pm)
                fl = rank * TABW
                plsc.store_scatter(tab_v, [fl + lanes], ones16, mask=valid)
                plsc.store_scatter(tab_v, [fl + 16],
                                   bits.astype(jnp.float32), mask=valid)
                tn = jnp.full((16,), 0.0, jnp.float32) + (
                    t.astype(jnp.float32) * (1.0 / (NTIME - 1)))
                plsc.store_scatter(tab_v, [fl + 17], tn, mask=valid)
                plsc.store_scatter(msk_v, [rank], ones16, mask=valid)
                nbase = base + jnp.sum(sti)
                nstart = jnp.where(st, t, last_start)
                nrank = jnp.where(st, rank, last_rank)
                return (nbase, bits, nstart, nrank)

            init = (jnp.int32(0),
                    jnp.full((16,), -1, jnp.int32),
                    jnp.zeros((16,), jnp.int32),
                    jnp.full((16,), -1, jnp.int32))
            base, prev, last_start, last_rank = lax.fori_loop(
                0, NTIME, body, init)
            pm = jnp.logical_and(last_rank >= 0, last_rank < MAX_EVENTS)
            durv = (NTIME - last_start).astype(jnp.float32) * (1.0 / NTIME)
            plsc.store_scatter(tab_v, [last_rank * TABW + 18], durv, mask=pm)

            pltpu.sync_copy(tab_v, tab_hbm.at[wid])
            pltpu.sync_copy(msk_v, mask_hbm.at[wid])

    return k(xf, ztab, zmask)



def _ln_tc(x, s, b):
    mu = jnp.mean(x, axis=-1, keepdims=True)
    var = jnp.mean((x - mu) ** 2, axis=-1, keepdims=True)
    return (x - mu) * lax.rsqrt(var + 1e-5) * s[None, :] + b[None, :]


def _attn_ffn_core(h, mc, wq_ref, wk_ref, wv_ref, wo_ref,
                   l1s_ref, l1b_ref, l2s_ref, l2b_ref,
                   w1_ref, b1_ref, w2_ref, b2_ref):
    bf = jnp.bfloat16
    hn = _ln_tc(h, l1s_ref[...], l1b_ref[...]).astype(bf)
    q = jnp.dot(hn, wq_ref[...], preferred_element_type=jnp.float32)
    k = jnp.dot(hn, wk_ref[...], preferred_element_type=jnp.float32)
    v = jnp.dot(hn, wv_ref[...], preferred_element_type=jnp.float32)
    vm = v * mc
    scale = 1.0 / (DH ** 0.5)
    qb = (q * scale).astype(bf)
    kb = k.astype(bf)
    outs = []
    for hh in range(H):
        sl = slice(hh * DH, (hh + 1) * DH)
        s = lax.dot_general(qb[:, sl], kb[:, sl],
                            (((1,), (1,)), ((), ())),
                            preferred_element_type=jnp.float32)
        eb = jnp.exp(s).astype(bf)
        va = jnp.concatenate([vm[:, sl], mc], axis=1).astype(bf)
        oa = jnp.dot(eb, va, preferred_element_type=jnp.float32)
        outs.append(oa[:, :DH] * (1.0 / oa[:, DH:DH + 1]))
    o = jnp.concatenate(outs, axis=1).astype(bf)
    h2 = h + jnp.dot(o, wo_ref[...], preferred_element_type=jnp.float32)
    hn2 = _ln_tc(h2, l2s_ref[...], l2b_ref[...]).astype(bf)
    t1 = jnp.dot(hn2, w1_ref[...], preferred_element_type=jnp.float32)
    t1 = jnp.maximum(t1 + b1_ref[...][None, :], 0.0).astype(bf)
    t2 = jnp.dot(t1, w2_ref[...], preferred_element_type=jnp.float32)
    return h2 + t2 + b2_ref[...][None, :]


def _first_body(tab_ref, mc_ref, wp_ref, bp_ref, *refs):
    out_ref = refs[-1]
    tab = tab_ref[0]
    mc = mc_ref[0]
    h = jnp.dot(tab, wp_ref[...], preferred_element_type=jnp.float32)
    h = h + bp_ref[...][None, :]
    out_ref[0] = _attn_ffn_core(h, mc, *refs[:-1]).astype(jnp.bfloat16)


def _mid_body(h_ref, mc_ref, *refs):
    out_ref = refs[-1]
    h = h_ref[0].astype(jnp.float32)
    mc = mc_ref[0]
    out_ref[0] = _attn_ffn_core(h, mc, *refs[:-1]).astype(jnp.bfloat16)


def _last_body(h_ref, mc_ref, m_ref, lfs_ref, lfb_ref, *refs):
    out_ref = refs[-1]
    h = h_ref[0].astype(jnp.float32)
    mc = mc_ref[0]
    m = m_ref[0]
    h3 = _attn_ffn_core(h, mc, *refs[:-1])
    hf = _ln_tc(h3, lfs_ref[...], lfb_ref[...])
    pooled = jnp.dot(m, hf, preferred_element_type=jnp.float32)
    denom = jnp.maximum(jnp.sum(m), 1.0)
    out_ref[0] = pooled * (1.0 / denom)


def _full_spec(shp):
    return pl.BlockSpec(shp, lambda b: (0,) * len(shp))


def _wspecs():
    return [
        _full_spec((D, D)), _full_spec((D, D)), _full_spec((D, D)),
        _full_spec((D, D)),
        _full_spec((D,)), _full_spec((D,)), _full_spec((D,)),
        _full_spec((D,)),
        _full_spec((D, DFF)), _full_spec((DFF,)), _full_spec((DFF, D)),
        _full_spec((D,)),
    ]


def _wargs(wq, wk, wv, wo, l1s, l1b, l2s, l2b, w1, b1, w2, b2):
    bf = jnp.bfloat16
    return (wq.astype(bf), wk.astype(bf), wv.astype(bf), wo.astype(bf),
            l1s, l1b, l2s, l2b, w1.astype(bf), b1, w2.astype(bf), b2)


def _first_layer(table, mcol, w_pad, b_proj, *w):
    B = table.shape[0]
    return pl.pallas_call(
        _first_body,
        grid=(B,),
        in_specs=[
            pl.BlockSpec((1, MAX_EVENTS, TABW), lambda b: (b, 0, 0)),
            pl.BlockSpec((1, MAX_EVENTS, 1), lambda b: (b, 0, 0)),
            _full_spec((TABW, D)), _full_spec((D,)),
        ] + _wspecs(),
        out_specs=pl.BlockSpec((1, MAX_EVENTS, D), lambda b: (b, 0, 0)),
        out_shape=jax.ShapeDtypeStruct((B, MAX_EVENTS, D), jnp.bfloat16),
    )(table, mcol, w_pad, b_proj, *_wargs(*w))


def _mid_layer(h, mcol, *w):
    B = h.shape[0]
    return pl.pallas_call(
        _mid_body,
        grid=(B,),
        in_specs=[
            pl.BlockSpec((1, MAX_EVENTS, D), lambda b: (b, 0, 0)),
            pl.BlockSpec((1, MAX_EVENTS, 1), lambda b: (b, 0, 0)),
        ] + _wspecs(),
        out_specs=pl.BlockSpec((1, MAX_EVENTS, D), lambda b: (b, 0, 0)),
        out_shape=jax.ShapeDtypeStruct((B, MAX_EVENTS, D), jnp.bfloat16),
    )(h, mcol, *_wargs(*w))


def _last_layer(h, mcol, m3, lnf_s, lnf_b, *w):
    B = h.shape[0]
    return pl.pallas_call(
        _last_body,
        grid=(B,),
        in_specs=[
            pl.BlockSpec((1, MAX_EVENTS, D), lambda b: (b, 0, 0)),
            pl.BlockSpec((1, MAX_EVENTS, 1), lambda b: (b, 0, 0)),
            pl.BlockSpec((1, 1, MAX_EVENTS), lambda b: (b, 0, 0)),
            _full_spec((D,)), _full_spec((D,)),
        ] + _wspecs(),
        out_specs=pl.BlockSpec((1, 1, D), lambda b: (b, 0, 0)),
        out_shape=jax.ShapeDtypeStruct((B, 1, D), jnp.float32),
    )(h, mcol, m3, lnf_s, lnf_b, *_wargs(*w))



def kernel(x, W_proj, b_proj, Wq, Wk, Wv, Wo, ln1_s, ln1_b, ln2_s, ln2_b,
           W1, b1, W2, b2, lnf_s, lnf_b):
    B = x.shape[0]
    xf = x.astype(jnp.float32).reshape(B, NTIME * NCOMP)
    ztab = jnp.zeros((MAX_EVENTS * TABW,), jnp.float32)
    zmask = jnp.zeros((MAX_EVENTS,), jnp.float32)
    tabflat, mask = _sc_event_build(xf, ztab, zmask)
    table = tabflat.reshape(B, MAX_EVENTS, TABW)
    m3 = mask.reshape(B, 1, MAX_EVENTS)
    mcol = mask.reshape(B, MAX_EVENTS, 1)

    w_pad = jnp.zeros((TABW, D), jnp.float32).at[:W_proj.shape[0]].set(W_proj)
    wl = lambda l: (Wq[l], Wk[l], Wv[l], Wo[l], ln1_s[l], ln1_b[l],
                    ln2_s[l], ln2_b[l], W1[l], b1[l], W2[l], b2[l])
    h = _first_layer(table, mcol, w_pad, b_proj, *wl(0))
    for l in range(1, L - 1):
        h = _mid_layer(h, mcol, *wl(l))
    out = _last_layer(h, mcol, m3, lnf_s, lnf_b, *wl(L - 1))
    return out.reshape(B, D)

# --- scband reference (transcript-rebuilt; emitter-appended) ---
"""Pipeline reference for scband-run-length-event-transformer-embedding-87050397155898 (READ-ONLY COPY).

The authoritative reference and input builder live on the scoring server;
editing this copy changes nothing except your own understanding.
"""

import jax, jax.numpy as jnp
import numpy as np

NTIME = 512
NCOMP = 16
MAX_EVENTS = 1024
D = 512
L = 4
H = 8
DFF = 2048
EIN = NCOMP + 3


def _build_event_batch(x):
    x = x.astype(jnp.float32)
    B, T, C = x.shape
    xb = (x > 0.5).astype(jnp.int32)
    seq = jnp.transpose(xb, (0, 2, 1))
    max_start = float(max(1, T - 1))
    first = jnp.ones((B, C, 1), dtype=bool)
    is_start = jnp.concatenate([first, seq[:, :, 1:] != seq[:, :, :-1]], axis=2)
    seg_id = jnp.cumsum(is_start.astype(jnp.int32), axis=2) - 1
    ones = jnp.ones((T,), jnp.float32)
    seg_counts = jax.vmap(jax.vmap(
        lambda sid: jax.ops.segment_sum(ones, sid, num_segments=T)))(seg_id)
    dur = jnp.take_along_axis(seg_counts, seg_id, axis=2)
    eye = jnp.eye(C, dtype=jnp.float32)
    onehot = jnp.broadcast_to(eye[None, :, None, :], (B, C, T, C))
    t_idx = jnp.arange(T, dtype=jnp.float32)
    rows = jnp.concatenate([
        onehot,
        seq[..., None].astype(jnp.float32),
        jnp.broadcast_to(t_idx[None, None, :, None], (B, C, T, 1)) / max_start,
        dur[..., None] / T,
    ], axis=3)
    valid = is_start.astype(jnp.float32)
    rows = rows * valid[..., None]
    c_idx = jnp.arange(C, dtype=jnp.float32)
    key = t_idx[None, None, :] + (c_idx / (C + 1.0))[None, :, None]
    key = jnp.where(is_start, key, jnp.inf)
    rows = rows.reshape(B, C * T, C + 3)
    key = key.reshape(B, C * T)
    valid = valid.reshape(B, C * T)
    order = jnp.argsort(key, axis=1)
    table = jnp.take_along_axis(rows, order[:, :, None], axis=1)[:, :MAX_EVENTS]
    mask = jnp.take_along_axis(valid, order, axis=1)[:, :MAX_EVENTS]
    return table, mask


def _ln(x, s, b):
    m = x.mean(-1, keepdims=True)
    v = ((x - m) ** 2).mean(-1, keepdims=True)
    return (x - m) / jnp.sqrt(v + 1e-5) * s + b


def _transformer(h, mask, Wq, Wk, Wv, Wo, ln1_s, ln1_b, ln2_s, ln2_b, W1, b1, W2, b2, lnf_s, lnf_b):
    B, N, d = h.shape
    dh = d // H
    bias = (1.0 - mask)[:, None, None, :] * -1e9
    for l in range(L):
        hn = _ln(h, ln1_s[l], ln1_b[l])
        q = (hn @ Wq[l]).reshape(B, N, H, dh).transpose(0, 2, 1, 3)
        k = (hn @ Wk[l]).reshape(B, N, H, dh).transpose(0, 2, 1, 3)
        v = (hn @ Wv[l]).reshape(B, N, H, dh).transpose(0, 2, 1, 3)
        s = q @ k.transpose(0, 1, 3, 2) / jnp.sqrt(float(dh)) + bias
        a = jax.nn.softmax(s, axis=-1)
        o = (a @ v).transpose(0, 2, 1, 3).reshape(B, N, d) @ Wo[l]
        h = h + o
        hn = _ln(h, ln2_s[l], ln2_b[l])
        h = h + (jax.nn.relu(hn @ W1[l] + b1[l]) @ W2[l] + b2[l])
    h = _ln(h, lnf_s, lnf_b)
    denom = jnp.maximum(mask.sum(axis=1, keepdims=True), 1.0)
    pooled = (h * mask[:, :, None]).sum(axis=1) / denom
    return pooled


def setup_inputs(seed: int = 0):
    key = jax.random.key(seed)
    ks = jax.random.split(key, 20)
    x = jax.random.uniform(ks[0], (4, NTIME, NCOMP), dtype=jnp.float32)
    p = lambda i, shape: jax.random.normal(ks[i], shape, dtype=jnp.float32) * 0.02
    return {
        'x': x,
        'W_proj': p(1, (EIN, D)),
        'b_proj': jnp.zeros((D,), jnp.float32),
        'Wq': p(2, (L, D, D)),
        'Wk': p(3, (L, D, D)),
        'Wv': p(4, (L, D, D)),
        'Wo': p(5, (L, D, D)),
        'ln1_s': jnp.ones((L, D), jnp.float32),
        'ln1_b': jnp.zeros((L, D), jnp.float32),
        'ln2_s': jnp.ones((L, D), jnp.float32),
        'ln2_b': jnp.zeros((L, D), jnp.float32),
        'W1': p(6, (L, D, DFF)),
        'b1': jnp.zeros((L, DFF), jnp.float32),
        'W2': p(7, (L, DFF, D)),
        'b2': jnp.zeros((L, D), jnp.float32),
        'lnf_s': jnp.ones((D,), jnp.float32),
        'lnf_b': jnp.zeros((D,), jnp.float32),
    }


def reference(x, W_proj, b_proj, Wq, Wk, Wv, Wo, ln1_s, ln1_b, ln2_s, ln2_b, W1, b1, W2, b2, lnf_s, lnf_b):
    table, mask = _build_event_batch(x)
    h = table @ W_proj + b_proj
    return _transformer(h, mask, Wq, Wk, Wv, Wo, ln1_s, ln1_b, ln2_s, ln2_b, W1, b1, W2, b2, lnf_s, lnf_b)

if __name__ == "__main__":
    import jax
    _d = setup_inputs()
    print(jax.jit(kernel)(*tuple(_d.values())))

</pallas_src>

<mosaic_0001>
#map = affine_map<(d0, d1) -> (0, 0)>
#map1 = affine_map<(d0, d1) -> (0)>
module attributes {stable_mosaic.version = 14 : i64} {
  func.func @k(%arg0: i32, %arg1: i32, %arg2: memref<4x8192xf32, #tpu.memory_space<hbm>>, %arg3: memref<32768xf32, #tpu.memory_space<hbm>>, %arg4: memref<1024xf32, #tpu.memory_space<hbm>>, %arg5: memref<4x32768xf32, #tpu.memory_space<hbm>>, %arg6: memref<4x1024xf32, #tpu.memory_space<hbm>>, %arg7: memref<8192xf32, #tpu.memory_space<vmem>>, %arg8: memref<32768xf32, #tpu.memory_space<vmem>>, %arg9: memref<1024xf32, #tpu.memory_space<vmem>>) attributes {dimension_semantics = [#tpu.dimension_semantics<core_parallel>, #tpu.dimension_semantics<subcore_parallel>], iteration_bounds = array<i64: 2, 16>, scalar_prefetch = 0 : i64, scratch_operands = 3 : i64, tpu.core_type = #tpu.core_type<sc_vector_subcore>, window_params = [{transform_indices = #map}, {transform_indices = #map1}, {transform_indices = #map1}, {transform_indices = #map}, {transform_indices = #map}]} {
    %mul3A = arith.constant 2 : i32
    %mul3A_0 = arith.muli %arg1, %mul3A : i32
    %add3A = arith.addi %mul3A_0, %arg0 : i32
    %lt3A = arith.constant 4 : i32
    %lt3A_1 = arith.cmpi slt, %add3A, %lt3A : i32
    %convert_element_type3A = arith.extui %lt3A_1 : i1 to i32
    %cond3A = arith.constant 0 : i32
    %cond3A_2 = arith.cmpi ne, %convert_element_type3A, %cond3A : i32
    scf.if %cond3A_2 {
      "tpu.region"() ({
        %run_scoped3A = tpu.sem_alloc : memref<!tpu.dma_semaphore, #tpu.memory_space<semaphore_mem>>
        %dma_start3A = arith.constant 0 : i32
        %dma_start3A_33 = tpu.memref_slice %arg2[%add3A, %dma_start3A] : memref<4x8192xf32, #tpu.memory_space<hbm>> -> memref<1x8192xf32, #tpu.memory_space<hbm>>
        %dma_start3A_34 = tpu.memref_squeeze %dma_start3A_33 : memref<1x8192xf32, #tpu.memory_space<hbm>> -> memref<8192xf32, #tpu.memory_space<hbm>>
        %dma_start3A_35 = arith.constant 0 : i32
        %dma_start3A_36 = tpu.memref_slice %arg2[%add3A, %dma_start3A_35] : memref<4x8192xf32, #tpu.memory_space<hbm>> -> memref<1x8192xf32, #tpu.memory_space<hbm>>
        %dma_start3A_37 = tpu.memref_squeeze %dma_start3A_36 : memref<1x8192xf32, #tpu.memory_space<hbm>> -> memref<8192xf32, #tpu.memory_space<hbm>>
        tpu.enqueue_dma source(%dma_start3A_37 : memref<8192xf32, #tpu.memory_space<hbm>>) target(%arg7 : memref<8192xf32, #tpu.memory_space<vmem>>) target_semaphore(%run_scoped3A : memref<!tpu.dma_semaphore, #tpu.memory_space<semaphore_mem>>)
        %dma_wait3A = arith.constant 0 : i32
        %dma_wait3A_38 = tpu.memref_slice %arg2[%add3A, %dma_wait3A] : memref<4x8192xf32, #tpu.memory_space<hbm>> -> memref<1x8192xf32, #tpu.memory_space<hbm>>
        %dma_wait3A_39 = tpu.memref_squeeze %dma_wait3A_38 : memref<1x8192xf32, #tpu.memory_space<hbm>> -> memref<8192xf32, #tpu.memory_space<hbm>>
        %dma_wait3A_40 = arith.constant 0 : i32
        %dma_wait3A_41 = tpu.memref_slice %arg2[%add3A, %dma_wait3A_40] : memref<4x8192xf32, #tpu.memory_space<hbm>> -> memref<1x8192xf32, #tpu.memory_space<hbm>>
        %dma_wait3A_42 = tpu.memref_squeeze %dma_wait3A_41 : memref<1x8192xf32, #tpu.memory_space<hbm>> -> memref<8192xf32, #tpu.memory_space<hbm>>
        tpu.wait_dma2 semaphore(%run_scoped3A : memref<!tpu.dma_semaphore, #tpu.memory_space<semaphore_mem>>) src(%dma_wait3A_42 : memref<8192xf32, #tpu.memory_space<hbm>>) dst(%arg7 : memref<8192xf32, #tpu.memory_space<vmem>>)
        tpu.yield
      }) : () -> ()
      "tpu.region"() ({
        %run_scoped3A = tpu.sem_alloc : memref<!tpu.dma_semaphore, #tpu.memory_space<semaphore_mem>>
        tpu.enqueue_dma source(%arg3 : memref<32768xf32, #tpu.memory_space<hbm>>) target(%arg8 : memref<32768xf32, #tpu.memory_space<vmem>>) target_semaphore(%run_scoped3A : memref<!tpu.dma_semaphore, #tpu.memory_space<semaphore_mem>>)
        tpu.wait_dma2 semaphore(%run_scoped3A : memref<!tpu.dma_semaphore, #tpu.memory_space<semaphore_mem>>) src(%arg3 : memref<32768xf32, #tpu.memory_space<hbm>>) dst(%arg8 : memref<32768xf32, #tpu.memory_space<vmem>>)
        tpu.yield
      }) : () -> ()
      "tpu.region"() ({
        %run_scoped3A = tpu.sem_alloc : memref<!tpu.dma_semaphore, #tpu.memory_space<semaphore_mem>>
        tpu.enqueue_dma source(%arg4 : memref<1024xf32, #tpu.memory_space<hbm>>) target(%arg9 : memref<1024xf32, #tpu.memory_space<vmem>>) target_semaphore(%run_scoped3A : memref<!tpu.dma_semaphore, #tpu.memory_space<semaphore_mem>>)
        tpu.wait_dma2 semaphore(%run_scoped3A : memref<!tpu.dma_semaphore, #tpu.memory_space<semaphore_mem>>) src(%arg4 : memref<1024xf32, #tpu.memory_space<hbm>>) dst(%arg9 : memref<1024xf32, #tpu.memory_space<vmem>>)
        tpu.yield
      }) : () -> ()
      %iota3A = tpu.iota {dimensions = array<i32: 0>} : vector<16xi32>
      %broadcast_in_dim3A = arith.constant 1.000000e+00 : f32
      %broadcast_in_dim3A_3 = vector.broadcast %broadcast_in_dim3A : f32 to vector<16xf32>
      %broadcast_in_dim3A_4 = arith.constant -1 : i32
      %broadcast_in_dim3A_5 = vector.broadcast %broadcast_in_dim3A_4 : i32 to vector<16xi32>
      %broadcast_in_dim3A_6 = arith.constant 0 : i32
      %broadcast_in_dim3A_7 = vector.broadcast %broadcast_in_dim3A_6 : i32 to vector<16xi32>
      %broadcast_in_dim3A_8 = arith.constant -1 : i32
      %broadcast_in_dim3A_9 = vector.broadcast %broadcast_in_dim3A_8 : i32 to vector<16xi32>
      %scan3A = arith.constant 0 : i32
      %scan3A_10 = arith.constant 0 : i32
      %scan3A_11 = arith.constant 512 : i32
      %scan3A_12 = arith.addi %scan3A_10, %scan3A_11 : i32
      %scan3A_13 = arith.constant 1 : i32
      %scan3A_14:4 = scf.for %scan3A_33 = %scan3A_10 to %scan3A_12 step %scan3A_13 iter_args(%scan3A_34 = %scan3A, %scan3A_35 = %broadcast_in_dim3A_5, %scan3A_36 = %broadcast_in_dim3A_7, %scan3A_37 = %broadcast_in_dim3A_9) -> (i32, vector<16xi32>, vector<16xi32>, vector<16xi32>)  : i32 {
        %mul3A_38 = arith.constant 16 : i32
        %mul3A_39 = arith.muli %scan3A_33, %mul3A_38 : i32
        %get3A = arith.index_cast %mul3A_39 : i32 to index
        %get3A_40 = tpu.vector_load %arg7[%get3A] {strides = array<i32>} : memref<8192xf32, #tpu.memory_space<vmem>>, vector<16xf32>,
        %gt3A = arith.constant 5.000000e-01 : f32
        %gt3A_41 = vector.broadcast %gt3A : f32 to vector<16xf32>
        %gt3A_42 = arith.cmpf ogt, %get3A_40, %gt3A_41 : vector<16xf32>
        %convert_element_type3A_43 = arith.extui %gt3A_42 : vector<16xi1> to vector<16xi32>
        %ne3A = arith.cmpi ne, %convert_element_type3A_43, %scan3A_35 : vector<16xi32>
        %convert_element_type3A_44 = arith.extui %ne3A : vector<16xi1> to vector<16xi32>
        %broadcast_in_dim3A_45 = arith.constant true
        %broadcast_in_dim3A_46 = vector.broadcast %broadcast_in_dim3A_45 : i1 to vector<16xi1>
        %masked_cumsum3A = tpu.scan <sum>, %convert_element_type3A_44 masked %broadcast_in_dim3A_46 : vector<16xi32>, vector<16xi1> -> vector<16xi32>
        %add3A_47 = vector.broadcast %scan3A_34 : i32 to vector<16xi32>
        %add3A_48 = arith.addi %add3A_47, %masked_cumsum3A : vector<16xi32>
        %sub3A_49 = arith.subi %add3A_48, %convert_element_type3A_44 : vector<16xi32>
        %lt3A_50 = arith.constant 1024 : i32
        %lt3A_51 = vector.broadcast %lt3A_50 : i32 to vector<16xi32>
        %lt3A_52 = arith.cmpi slt, %sub3A_49, %lt3A_51 : vector<16xi32>
        %and3A_53 = arith.andi %ne3A, %lt3A_52 : vector<16xi1>
        %ge3A_54 = arith.constant 0 : i32
        %ge3A_55 = vector.broadcast %ge3A_54 : i32 to vector<16xi32>
        %ge3A_56 = arith.cmpi sge, %scan3A_37, %ge3A_55 : vector<16xi32>
        %lt3A_57 = arith.constant 1024 : i32
        %lt3A_58 = vector.broadcast %lt3A_57 : i32 to vector<16xi32>
        %lt3A_59 = arith.cmpi slt, %scan3A_37, %lt3A_58 : vector<16xi32>
        %and3A_60 = arith.andi %ge3A_56, %lt3A_59 : vector<16xi1>
        %and3A_61 = arith.andi %ne3A, %and3A_60 : vector<16xi1>
        %sub3A_62 = vector.broadcast %scan3A_33 : i32 to vector<16xi32>
        %sub3A_63 = arith.subi %sub3A_62, %scan3A_36 : vector<16xi32>
        %convert_element_type3A_64 = arith.sitofp %sub3A_63 : vector<16xi32> to vector<16xf32>
        %mul3A_65 = arith.constant 0.001953125 : f32
        %mul3A_66 = vector.broadcast %mul3A_65 : f32 to vector<16xf32>
        %mul3A_67 = arith.mulf %convert_element_type3A_64, %mul3A_66 : vector<16xf32>
        %mul3A_68 = arith.constant 32 : i32
        %mul3A_69 = vector.broadcast %mul3A_68 : i32 to vector<16xi32>
        %mul3A_70 = arith.muli %scan3A_37, %mul3A_69 : vector<16xi32>
        %add3A_71 = arith.constant 18 : i32
        %add3A_72 = vector.broadcast %add3A_71 : i32 to vector<16xi32>
        %add3A_73 = arith.addi %mul3A_70, %add3A_72 : vector<16xi32>
        tpu.vector_store_idx %arg8[%add3A_73], %mul3A_67 masked %and3A_61 : memref<32768xf32, #tpu.memory_space<vmem>>[vector<16xi32>], vector<16xf32>, vector<16xi1>
        %mul3A_74 = arith.constant 32 : i32
        %mul3A_75 = vector.broadcast %mul3A_74 : i32 to vector<16xi32>
        %mul3A_76 = arith.muli %sub3A_49, %mul3A_75 : vector<16xi32>
        %add3A_77 = arith.addi %mul3A_76, %iota3A : vector<16xi32>
        tpu.vector_store_idx %arg8[%add3A_77], %broadcast_in_dim3A_3 masked %and3A_53 : memref<32768xf32, #tpu.memory_space<vmem>>[vector<16xi32>], vector<16xf32>, vector<16xi1>
        %add3A_78 = arith.constant 16 : i32
        %add3A_79 = vector.broadcast %add3A_78 : i32 to vector<16xi32>
        %add3A_80 = arith.addi %mul3A_76, %add3A_79 : vector<16xi32>
        %convert_element_type3A_81 = arith.sitofp %convert_element_type3A_43 : vector<16xi32> to vector<16xf32>
        tpu.vector_store_idx %arg8[%add3A_80], %convert_element_type3A_81 masked %and3A_53 : memref<32768xf32, #tpu.memory_space<vmem>>[vector<16xi32>], vector<16xf32>, vector<16xi1>
        %broadcast_in_dim3A_82 = arith.constant 0.000000e+00 : f32
        %broadcast_in_dim3A_83 = vector.broadcast %broadcast_in_dim3A_82 : f32 to vector<16xf32>
        %convert_element_type3A_84 = arith.sitofp %scan3A_33 : i32 to f32
        %mul3A_85 = arith.constant 0.00195694715 : f32
        %mul3A_86 = arith.mulf %convert_element_type3A_84, %mul3A_85 : f32
        %add3A_87 = vector.broadcast %mul3A_86 : f32 to vector<16xf32>
        %add3A_88 = arith.addf %broadcast_in_dim3A_83, %add3A_87 : vector<16xf32>
        %add3A_89 = arith.constant 17 : i32
        %add3A_90 = vector.broadcast %add3A_89 : i32 to vector<16xi32>
        %add3A_91 = arith.addi %mul3A_76, %add3A_90 : vector<16xi32>
        tpu.vector_store_idx %arg8[%add3A_91], %add3A_88 masked %and3A_53 : memref<32768xf32, #tpu.memory_space<vmem>>[vector<16xi32>], vector<16xf32>, vector<16xi1>
        tpu.vector_store_idx %arg9[%sub3A_49], %broadcast_in_dim3A_3 masked %and3A_53 : memref<1024xf32, #tpu.memory_space<vmem>>[vector<16xi32>], vector<16xf32>, vector<16xi1>
        %reduce_sum3A = arith.constant true
        %reduce_sum3A_92 = vector.broadcast %reduce_sum3A : i1 to vector<16xi1>
        %reduce_sum3A_93 = tpu.scan <sum>, %convert_element_type3A_44 masked %reduce_sum3A_92 : vector<16xi32>, vector<16xi1> -> vector<16xi32>
        %reduce_sum3A_94 = vector.extract %reduce_sum3A_93[15] : i32 from vector<16xi32>
        %add3A_95 = arith.addi %scan3A_34, %reduce_sum3A_94 : i32
        %broadcast_in_dim3A_96 = vector.broadcast %scan3A_33 : i32 to vector<16xi32>
        %select_n3A = arith.select %ne3A, %broadcast_in_dim3A_96, %scan3A_36 : vector<16xi1>, vector<16xi32>
        %select_n3A_97 = arith.select %ne3A, %sub3A_49, %scan3A_37 : vector<16xi1>, vector<16xi32>
        scf.yield %add3A_95, %convert_element_type3A_43, %select_n3A, %select_n3A_97 : i32, vector<16xi32>, vector<16xi32>, vector<16xi32>
      }
      %scan3A_15 = arith.constant 512 : i32
      %ge3A = arith.constant 0 : i32
      %ge3A_16 = vector.broadcast %ge3A : i32 to vector<16xi32>
      %ge3A_17 = arith.cmpi sge, %scan3A_14#3, %ge3A_16 : vector<16xi32>
      %lt3A_18 = arith.constant 1024 : i32
      %lt3A_19 = vector.broadcast %lt3A_18 : i32 to vector<16xi32>
      %lt3A_20 = arith.cmpi slt, %scan3A_14#3, %lt3A_19 : vector<16xi32>
      %and3A = arith.andi %ge3A_17, %lt3A_20 : vector<16xi1>
      %sub3A = arith.constant 512 : i32
      %sub3A_21 = vector.broadcast %sub3A : i32 to vector<16xi32>
      %sub3A_22 = arith.subi %sub3A_21, %scan3A_14#2 : vector<16xi32>
      %convert_element_type3A_23 = arith.sitofp %sub3A_22 : vector<16xi32> to vector<16xf32>
      %mul3A_24 = arith.constant 0.001953125 : f32
      %mul3A_25 = vector.broadcast %mul3A_24 : f32 to vector<16xf32>
      %mul3A_26 = arith.mulf %convert_element_type3A_23, %mul3A_25 : vector<16xf32>
      %mul3A_27 = arith.constant 32 : i32
      %mul3A_28 = vector.broadcast %mul3A_27 : i32 to vector<16xi32>
      %mul3A_29 = arith.muli %scan3A_14#3, %mul3A_28 : vector<16xi32>
      %add3A_30 = arith.constant 18 : i32
      %add3A_31 = vector.broadcast %add3A_30 : i32 to vector<16xi32>
      %add3A_32 = arith.addi %mul3A_29, %add3A_31 : vector<16xi32>
      tpu.vector_store_idx %arg8[%add3A_32], %mul3A_26 masked %and3A : memref<32768xf32, #tpu.memory_space<vmem>>[vector<16xi32>], vector<16xf32>, vector<16xi1>
      "tpu.region"() ({
        %run_scoped3A = tpu.sem_alloc : memref<!tpu.dma_semaphore, #tpu.memory_space<semaphore_mem>>
        %dma_start3A = arith.constant 0 : i32
        %dma_start3A_33 = tpu.memref_slice %arg5[%add3A, %dma_start3A] : memref<4x32768xf32, #tpu.memory_space<hbm>> -> memref<1x32768xf32, #tpu.memory_space<hbm>>
        %dma_start3A_34 = tpu.memref_squeeze %dma_start3A_33 : memref<1x32768xf32, #tpu.memory_space<hbm>> -> memref<32768xf32, #tpu.memory_space<hbm>>
        %dma_start3A_35 = arith.constant 0 : i32
        %dma_start3A_36 = tpu.memref_slice %arg5[%add3A, %dma_start3A_35] : memref<4x32768xf32, #tpu.memory_space<hbm>> -> memref<1x32768xf32, #tpu.memory_space<hbm>>
        %dma_start3A_37 = tpu.memref_squeeze %dma_start3A_36 : memref<1x32768xf32, #tpu.memory_space<hbm>> -> memref<32768xf32, #tpu.memory_space<hbm>>
        tpu.enqueue_dma source(%arg8 : memref<32768xf32, #tpu.memory_space<vmem>>) target(%dma_start3A_37 : memref<32768xf32, #tpu.memory_space<hbm>>) target_semaphore(%run_scoped3A : memref<!tpu.dma_semaphore, #tpu.memory_space<semaphore_mem>>)
        %dma_wait3A = arith.constant 0 : i32
        %dma_wait3A_38 = tpu.memref_slice %arg5[%add3A, %dma_wait3A] : memref<4x32768xf32, #tpu.memory_space<hbm>> -> memref<1x32768xf32, #tpu.memory_space<hbm>>
        %dma_wait3A_39 = tpu.memref_squeeze %dma_wait3A_38 : memref<1x32768xf32, #tpu.memory_space<hbm>> -> memref<32768xf32, #tpu.memory_space<hbm>>
        %dma_wait3A_40 = arith.constant 0 : i32
        %dma_wait3A_41 = tpu.memref_slice %arg5[%add3A, %dma_wait3A_40] : memref<4x32768xf32, #tpu.memory_space<hbm>> -> memref<1x32768xf32, #tpu.memory_space<hbm>>
        %dma_wait3A_42 = tpu.memref_squeeze %dma_wait3A_41 : memref<1x32768xf32, #tpu.memory_space<hbm>> -> memref<32768xf32, #tpu.memory_space<hbm>>
        tpu.wait_dma2 semaphore(%run_scoped3A : memref<!tpu.dma_semaphore, #tpu.memory_space<semaphore_mem>>) src(%arg8 : memref<32768xf32, #tpu.memory_space<vmem>>) dst(%dma_wait3A_42 : memref<32768xf32, #tpu.memory_space<hbm>>)
        tpu.yield
      }) : () -> ()
      "tpu.region"() ({
        %run_scoped3A = tpu.sem_alloc : memref<!tpu.dma_semaphore, #tpu.memory_space<semaphore_mem>>
        %dma_start3A = arith.constant 0 : i32
        %dma_start3A_33 = tpu.memref_slice %arg6[%add3A, %dma_start3A] : memref<4x1024xf32, #tpu.memory_space<hbm>> -> memref<1x1024xf32, #tpu.memory_space<hbm>>
        %dma_start3A_34 = tpu.memref_squeeze %dma_start3A_33 : memref<1x1024xf32, #tpu.memory_space<hbm>> -> memref<1024xf32, #tpu.memory_space<hbm>>
        %dma_start3A_35 = arith.constant 0 : i32
        %dma_start3A_36 = tpu.memref_slice %arg6[%add3A, %dma_start3A_35] : memref<4x1024xf32, #tpu.memory_space<hbm>> -> memref<1x1024xf32, #tpu.memory_space<hbm>>
        %dma_start3A_37 = tpu.memref_squeeze %dma_start3A_36 : memref<1x1024xf32, #tpu.memory_space<hbm>> -> memref<1024xf32, #tpu.memory_space<hbm>>
        tpu.enqueue_dma source(%arg9 : memref<1024xf32, #tpu.memory_space<vmem>>) target(%dma_start3A_37 : memref<1024xf32, #tpu.memory_space<hbm>>) target_semaphore(%run_scoped3A : memref<!tpu.dma_semaphore, #tpu.memory_space<semaphore_mem>>)
        %dma_wait3A = arith.constant 0 : i32
        %dma_wait3A_38 = tpu.memref_slice %arg6[%add3A, %dma_wait3A] : memref<4x1024xf32, #tpu.memory_space<hbm>> -> memref<1x1024xf32, #tpu.memory_space<hbm>>
        %dma_wait3A_39 = tpu.memref_squeeze %dma_wait3A_38 : memref<1x1024xf32, #tpu.memory_space<hbm>> -> memref<1024xf32, #tpu.memory_space<hbm>>
        %dma_wait3A_40 = arith.constant 0 : i32
        %dma_wait3A_41 = tpu.memref_slice %arg6[%add3A, %dma_wait3A_40] : memref<4x1024xf32, #tpu.memory_space<hbm>> -> memref<1x1024xf32, #tpu.memory_space<hbm>>
        %dma_wait3A_42 = tpu.memref_squeeze %dma_wait3A_41 : memref<1x1024xf32, #tpu.memory_space<hbm>> -> memref<1024xf32, #tpu.memory_space<hbm>>
        tpu.wait_dma2 semaphore(%run_scoped3A : memref<!tpu.dma_semaphore, #tpu.memory_space<semaphore_mem>>) src(%arg9 : memref<1024xf32, #tpu.memory_space<vmem>>) dst(%dma_wait3A_42 : memref<1024xf32, #tpu.memory_space<hbm>>)
        tpu.yield
      }) : () -> ()
    } else {
    }
    return
  }
}

module attributes {stable_mosaic.version = 14 : i64} {
  func.func @_first_body(%arg0: i32, %arg1: memref<1x1024x32xf32, #tpu.memory_space<vmem>>, %arg2: memref<1x1024x1xf32, #tpu.memory_space<vmem>>, %arg3: memref<32x512xf32, #tpu.memory_space<vmem>>, %arg4: memref<512xf32, #tpu.memory_space<vmem>>, %arg5: memref<512x512xbf16, #tpu.memory_space<vmem>>, %arg6: memref<512x512xbf16, #tpu.memory_space<vmem>>, %arg7: memref<512x512xbf16, #tpu.memory_space<vmem>>, %arg8: memref<512x512xbf16, #tpu.memory_space<vmem>>, %arg9: memref<512xf32, #tpu.memory_space<vmem>>, %arg10: memref<512xf32, #tpu.memory_space<vmem>>, %arg11: memref<512xf32, #tpu.memory_space<vmem>>, %arg12: memref<512xf32, #tpu.memory_space<vmem>>, %arg13: memref<512x2048xbf16, #tpu.memory_space<vmem>>, %arg14: memref<2048xf32, #tpu.memory_space<vmem>>, %arg15: memref<2048x512xbf16, #tpu.memory_space<vmem>>, %arg16: memref<512xf32, #tpu.memory_space<vmem>>, %arg17: memref<1x1024x512xbf16, #tpu.memory_space<vmem>>) attributes {dimension_semantics = [#tpu.dimension_semantics<arbitrary>], iteration_bounds = array<i64: 4>, scalar_prefetch = 0 : i64, scratch_operands = 0 : i64, tpu.core_type = #tpu.core_type<tc>, window_params = [{transform_indices = @transform_0, window_bounds = array<i64: 1, 1024, 32>}, {transform_indices = @transform_1, window_bounds = array<i64: 1, 1024, 1>}, {pipeline_mode = #tpu.pipeline_mode<synchronous>, transform_indices = @transform_2, window_bounds = array<i64: 32, 512>}, {pipeline_mode = #tpu.pipeline_mode<synchronous>, transform_indices = @transform_3, window_bounds = array<i64: 512>}, {pipeline_mode = #tpu.pipeline_mode<synchronous>, transform_indices = @transform_4, window_bounds = array<i64: 512, 512>}, {pipeline_mode = #tpu.pipeline_mode<synchronous>, transform_indices = @transform_5, window_bounds = array<i64: 512, 512>}, {pipeline_mode = #tpu.pipeline_mode<synchronous>, transform_indices = @transform_6, window_bounds = array<i64: 512, 512>}, {pipeline_mode = #tpu.pipeline_mode<synchronous>, transform_indices = @transform_7, window_bounds = array<i64: 512, 512>}, {pipeline_mode = #tpu.pipeline_mode<synchronous>, transform_indices = @transform_8, window_bounds = array<i64: 512>}, {pipeline_mode = #tpu.pipeline_mode<synchronous>, transform_indices = @transform_9, window_bounds = array<i64: 512>}, {pipeline_mode = #tpu.pipeline_mode<synchronous>, transform_indices = @transform_10, window_bounds = array<i64: 512>}, {pipeline_mode = #tpu.pipeline_mode<synchronous>, transform_indices = @transform_11, window_bounds = array<i64: 512>}, {pipeline_mode = #tpu.pipeline_mode<synchronous>, transform_indices = @transform_12, window_bounds = array<i64: 512, 2048>}, {pipeline_mode = #tpu.pipeline_mode<synchronous>, transform_indices = @transform_13, window_bounds = array<i64: 2048>}, {pipeline_mode = #tpu.pipeline_mode<synchronous>, transform_indices = @transform_14, window_bounds = array<i64: 2048, 512>}, {pipeline_mode = #tpu.pipeline_mode<synchronous>, transform_indices = @transform_15, window_bounds = array<i64: 512>}, {transform_indices = @transform_16, window_bounds = array<i64: 1, 1024, 512>}]} {
    %get3A = arith.constant 0 : index
    %get3A_0 = arith.constant 0 : index
    %get3A_1 = arith.constant 0 : index
    %get3A_2 = vector.load %arg1[%get3A, %get3A_0, %get3A_1] : memref<1x1024x32xf32, #tpu.memory_space<vmem>>, vector<1x1024x32xf32>
    %get3A_3 = vector.shape_cast %get3A_2 : vector<1x1024x32xf32> to vector<1024x32xf32>
    %get3A_4 = arith.constant 0 : index
    %get3A_5 = arith.constant 0 : index
    %get3A_6 = arith.constant 0 : index
    %get3A_7 = vector.load %arg2[%get3A_4, %get3A_5, %get3A_6] : memref<1x1024x1xf32, #tpu.memory_space<vmem>>, vector<1x1024x1xf32>
    %get3A_8 = vector.shape_cast %get3A_7 : vector<1x1024x1xf32> to vector<1024x1xf32>
    %get3A_9 = arith.constant 0 : index
    %get3A_10 = arith.constant 0 : index
    %get3A_11 = vector.load %arg3[%get3A_9, %get3A_10] : memref<32x512xf32, #tpu.memory_space<vmem>>, vector<32x512xf32>
    %dot_general3A = arith.constant dense<0.000000e+00> : vector<1024x512xf32>
    %dot_general3A_12 = tpu.matmul %get3A_3, %get3A_11, %dot_general3A {dimension_numbers = #tpu.dot_dimension_numbers<[1], [0], [0], [1], [0, 0, 1, 1], [], []>, transpose_lhs_hint = false} : vector<1024x32xf32>, vector<32x512xf32>, vector<1024x512xf32> -> vector<1024x512xf32>
    %get3A_13 = arith.constant 0 : index
    %get3A_14 = vector.load %arg4[%get3A_13] : memref<512xf32, #tpu.memory_space<vmem>>, vector<512xf32>
    %broadcast_in_dim3A = vector.shape_cast %get3A_14 : vector<512xf32> to vector<1x512xf32>
    %add3A = vector.broadcast %broadcast_in_dim3A : vector<1x512xf32> to vector<1024x512xf32>
    %add3A_15 = arith.addf %dot_general3A_12, %add3A : vector<1024x512xf32>
    %get3A_16 = arith.constant 0 : index
    %get3A_17 = vector.load %arg9[%get3A_16] : memref<512xf32, #tpu.memory_space<vmem>>, vector<512xf32>
    %get3A_18 = arith.constant 0 : index
    %get3A_19 = vector.load %arg10[%get3A_18] : memref<512xf32, #tpu.memory_space<vmem>>, vector<512xf32>
    %reduce_sum3A = arith.constant dense<0.000000e+00> : vector<1024xf32>
    %reduce_sum3A_20 = vector.multi_reduction <add>, %add3A_15, %reduce_sum3A [1] : vector<1024x512xf32> to vector<1024xf32>
    %broadcast_in_dim3A_21 = vector.shape_cast %reduce_sum3A_20 : vector<1024xf32> to vector<1024x1xf32>
    %div3A = arith.constant 5.120000e+02 : f32
    %div3A_22 = vector.broadcast %div3A : f32 to vector<1024x1xf32>
    %div3A_23 = arith.divf %broadcast_in_dim3A_21, %div3A_22 : vector<1024x1xf32>
    %sub3A = vector.broadcast %div3A_23 : vector<1024x1xf32> to vector<1024x512xf32>
    %sub3A_24 = arith.subf %add3A_15, %sub3A : vector<1024x512xf32>
    %integer_pow3A = arith.mulf %sub3A_24, %sub3A_24 : vector<1024x512xf32>
    %reduce_sum3A_25 = arith.constant dense<0.000000e+00> : vector<1024xf32>
    %reduce_sum3A_26 = vector.multi_reduction <add>, %integer_pow3A, %reduce_sum3A_25 [1] : vector<1024x512xf32> to vector<1024xf32>
    %broadcast_in_dim3A_27 = vector.shape_cast %reduce_sum3A_26 : vector<1024xf32> to vector<1024x1xf32>
    %div3A_28 = arith.constant 5.120000e+02 : f32
    %div3A_29 = vector.broadcast %div3A_28 : f32 to vector<1024x1xf32>
    %div3A_30 = arith.divf %broadcast_in_dim3A_27, %div3A_29 : vector<1024x1xf32>
    %sub3A_31 = vector.broadcast %div3A_23 : vector<1024x1xf32> to vector<1024x512xf32>
    %sub3A_32 = arith.subf %add3A_15, %sub3A_31 : vector<1024x512xf32>
    %add3A_33 = arith.constant 9.99999974E-6 : f32
    %add3A_34 = vector.broadcast %add3A_33 : f32 to vector<1024x1xf32>
    %add3A_35 = arith.addf %div3A_30, %add3A_34 : vector<1024x1xf32>
    %rsqrt3A = math.rsqrt %add3A_35 : vector<1024x1xf32>
    %mul3A = vector.broadcast %rsqrt3A : vector<1024x1xf32> to vector<1024x512xf32>
    %mul3A_36 = arith.mulf %sub3A_32, %mul3A : vector<1024x512xf32>
    %broadcast_in_dim3A_37 = vector.shape_cast %get3A_17 : vector<512xf32> to vector<1x512xf32>
    %mul3A_38 = vector.broadcast %broadcast_in_dim3A_37 : vector<1x512xf32> to vector<1024x512xf32>
    %mul3A_39 = arith.mulf %mul3A_36, %mul3A_38 : vector<1024x512xf32>
    %broadcast_in_dim3A_40 = vector.shape_cast %get3A_19 : vector<512xf32> to vector<1x512xf32>
    %add3A_41 = vector.broadcast %broadcast_in_dim3A_40 : vector<1x512xf32> to vector<1024x512xf32>
    %add3A_42 = arith.addf %mul3A_39, %add3A_41 : vector<1024x512xf32>
    %convert_element_type3A = arith.truncf %add3A_42 : vector<1024x512xf32> to vector<1024x512xbf16>
    %get3A_43 = arith.constant 0 : index
    %get3A_44 = arith.constant 0 : index
    %get3A_45 = vector.load %arg5[%get3A_43, %get3A_44] : memref<512x512xbf16, #tpu.memory_space<vmem>>, vector<512x512xbf16>
    %dot_general3A_46 = arith.constant dense<0.000000e+00> : vector<1024x512xf32>
    %dot_general3A_47 = tpu.matmul %convert_element_type3A, %get3A_45, %dot_general3A_46 {dimension_numbers = #tpu.dot_dimension_numbers<[1], [0], [0], [1], [0, 0, 1, 1], [], []>, transpose_lhs_hint = false} : vector<1024x512xbf16>, vector<512x512xbf16>, vector<1024x512xf32> -> vector<1024x512xf32>
    %get3A_48 = arith.constant 0 : index
    %get3A_49 = arith.constant 0 : index
    %get3A_50 = vector.load %arg6[%get3A_48, %get3A_49] : memref<512x512xbf16, #tpu.memory_space<vmem>>, vector<512x512xbf16>
    %dot_general3A_51 = arith.constant dense<0.000000e+00> : vector<1024x512xf32>
    %dot_general3A_52 = tpu.matmul %convert_element_type3A, %get3A_50, %dot_general3A_51 {dimension_numbers = #tpu.dot_dimension_numbers<[1], [0], [0], [1], [0, 0, 1, 1], [], []>, transpose_lhs_hint = false} : vector<1024x512xbf16>, vector<512x512xbf16>, vector<1024x512xf32> -> vector<1024x512xf32>
    %get3A_53 = arith.constant 0 : index
    %get3A_54 = arith.constant 0 : index
    %get3A_55 = vector.load %arg7[%get3A_53, %get3A_54] : memref<512x512xbf16, #tpu.memory_space<vmem>>, vector<512x512xbf16>
    %dot_general3A_56 = arith.constant dense<0.000000e+00> : vector<1024x512xf32>
    %dot_general3A_57 = tpu.matmul %convert_element_type3A, %get3A_55, %dot_general3A_56 {dimension_numbers = #tpu.dot_dimension_numbers<[1], [0], [0], [1], [0, 0, 1, 1], [], []>, transpose_lhs_hint = false} : vector<1024x512xbf16>, vector<512x512xbf16>, vector<1024x512xf32> -> vector<1024x512xf32>
    %mul3A_58 = vector.broadcast %get3A_8 : vector<1024x1xf32> to vector<1024x512xf32>
    %mul3A_59 = arith.mulf %dot_general3A_57, %mul3A_58 : vector<1024x512xf32>
    %mul3A_60 = arith.constant 1.250000e-01 : f32
    %mul3A_61 = vector.broadcast %mul3A_60 : f32 to vector<1024x512xf32>
    %mul3A_62 = arith.mulf %dot_general3A_47, %mul3A_61 : vector<1024x512xf32>
    %convert_element_type3A_63 = arith.truncf %mul3A_62 : vector<1024x512xf32> to vector<1024x512xbf16>
    %convert_element_type3A_64 = arith.truncf %dot_general3A_52 : vector<1024x512xf32> to vector<1024x512xbf16>
    %slice3A = vector.extract_strided_slice %convert_element_type3A_63 {offsets = [0, 0], sizes = [1024, 64], strides = [1, 1]} : vector<1024x512xbf16> to vector<1024x64xbf16>
    %slice3A_65 = vector.extract_strided_slice %convert_element_type3A_64 {offsets = [0, 0], sizes = [1024, 64], strides = [1, 1]} : vector<1024x512xbf16> to vector<1024x64xbf16>
    %dot_general3A_66 = arith.constant dense<0.000000e+00> : vector<1024x1024xf32>
    %dot_general3A_67 = tpu.matmul %slice3A, %slice3A_65, %dot_general3A_66 {dimension_numbers = #tpu.dot_dimension_numbers<[1], [1], [0], [0], [0, 0, 1, 0], [], []>, transpose_lhs_hint = false} : vector<1024x64xbf16>, vector<1024x64xbf16>, vector<1024x1024xf32> -> vector<1024x1024xf32>
    %exp3A = math.exp %dot_general3A_67 : vector<1024x1024xf32>
    %convert_element_type3A_68 = arith.truncf %exp3A : vector<1024x1024xf32> to vector<1024x1024xbf16>
    %slice3A_69 = vector.extract_strided_slice %mul3A_59 {offsets = [0, 0], sizes = [1024, 64], strides = [1, 1]} : vector<1024x512xf32> to vector<1024x64xf32>
    %concatenate3A = tpu.concatenate %slice3A_69, %get3A_8 in 1 : vector<1024x64xf32>, vector<1024x1xf32> -> vector<1024x65xf32>
    %convert_element_type3A_70 = arith.truncf %concatenate3A : vector<1024x65xf32> to vector<1024x65xbf16>
    %dot_general3A_71 = arith.constant dense<0.000000e+00> : vector<1024x65xf32>
    %dot_general3A_72 = tpu.matmul %convert_element_type3A_68, %convert_element_type3A_70, %dot_general3A_71 {dimension_numbers = #tpu.dot_dimension_numbers<[1], [0], [0], [1], [0, 0, 1, 1], [], []>, transpose_lhs_hint = false} : vector<1024x1024xbf16>, vector<1024x65xbf16>, vector<1024x65xf32> -> vector<1024x65xf32>
    %slice3A_73 = vector.extract_strided_slice %dot_general3A_72 {offsets = [0, 0], sizes = [1024, 64], strides = [1, 1]} : vector<1024x65xf32> to vector<1024x64xf32>
    %slice3A_74 = vector.extract_strided_slice %dot_general3A_72 {offsets = [0, 64], sizes = [1024, 1], strides = [1, 1]} : vector<1024x65xf32> to vector<1024x1xf32>
    %div3A_75 = arith.constant 1.000000e+00 : f32
    %div3A_76 = vector.broadcast %div3A_75 : f32 to vector<1024x1xf32>
    %div3A_77 = arith.divf %div3A_76, %slice3A_74 : vector<1024x1xf32>
    %mul3A_78 = vector.broadcast %div3A_77 : vector<1024x1xf32> to vector<1024x64xf32>
    %mul3A_79 = arith.mulf %slice3A_73, %mul3A_78 : vector<1024x64xf32>
    %slice3A_80 = vector.extract_strided_slice %convert_element_type3A_63 {offsets = [0, 64], sizes = [1024, 64], strides = [1, 1]} : vector<1024x512xbf16> to vector<1024x64xbf16>
    %slice3A_81 = vector.extract_strided_slice %convert_element_type3A_64 {offsets = [0, 64], sizes = [1024, 64], strides = [1, 1]} : vector<1024x512xbf16> to vector<1024x64xbf16>
    %dot_general3A_82 = arith.constant dense<0.000000e+00> : vector<1024x1024xf32>
    %dot_general3A_83 = tpu.matmul %slice3A_80, %slice3A_81, %dot_general3A_82 {dimension_numbers = #tpu.dot_dimension_numbers<[1], [1], [0], [0], [0, 0, 1, 0], [], []>, transpose_lhs_hint = false} : vector<1024x64xbf16>, vector<1024x64xbf16>, vector<1024x1024xf32> -> vector<1024x1024xf32>
    %exp3A_84 = math.exp %dot_general3A_83 : vector<1024x1024xf32>
    %convert_element_type3A_85 = arith.truncf %exp3A_84 : vector<1024x1024xf32> to vector<1024x1024xbf16>
    %slice3A_86 = vector.extract_strided_slice %mul3A_59 {offsets = [0, 64], sizes = [1024, 64], strides = [1, 1]} : vector<1024x512xf32> to vector<1024x64xf32>
    %concatenate3A_87 = tpu.concatenate %slice3A_86, %get3A_8 in 1 : vector<1024x64xf32>, vector<1024x1xf32> -> vector<1024x65xf32>
    %convert_element_type3A_88 = arith.truncf %concatenate3A_87 : vector<1024x65xf32> to vector<1024x65xbf16>
    %dot_general3A_89 = arith.constant dense<0.000000e+00> : vector<1024x65xf32>
    %dot_general3A_90 = tpu.matmul %convert_element_type3A_85, %convert_element_type3A_88, %dot_general3A_89 {dimension_numbers = #tpu.dot_dimension_numbers<[1], [0], [0], [1], [0, 0, 1, 1], [], []>, transpose_lhs_hint = false} : vector<1024x1024xbf16>, vector<1024x65xbf16>, vector<1024x65xf32> -> vector<1024x65xf32>
    %slice3A_91 = vector.extract_strided_slice %dot_general3A_90 {offsets = [0, 0], sizes = [1024, 64], strides = [1, 1]} : vector<1024x65xf32> to vector<1024x64xf32>
    %slice3A_92 = vector.extract_strided_slice %dot_general3A_90 {offsets = [0, 64], sizes = [1024, 1], strides = [1, 1]} : vector<1024x65xf32> to vector<1024x1xf32>
    %div3A_93 = arith.constant 1.000000e+00 : f32
    %div3A_94 = vector.broadcast %div3A_93 : f32 to vector<1024x1xf32>
    %div3A_95 = arith.divf %div3A_94, %slice3A_92 : vector<1024x1xf32>
    %mul3A_96 = vector.broadcast %div3A_95 : vector<1024x1xf32> to vector<1024x64xf32>
    %mul3A_97 = arith.mulf %slice3A_91, %mul3A_96 : vector<1024x64xf32>
    %slice3A_98 = vector.extract_strided_slice %convert_element_type3A_63 {offsets = [0, 128], sizes = [1024, 64], strides = [1, 1]} : vector<1024x512xbf16> to vector<1024x64xbf16>
    %slice3A_99 = vector.extract_strided_slice %convert_element_type3A_64 {offsets = [0, 128], sizes = [1024, 64], strides = [1, 1]} : vector<1024x512xbf16> to vector<1024x64xbf16>
    %dot_general3A_100 = arith.constant dense<0.000000e+00> : vector<1024x1024xf32>
    %dot_general3A_101 = tpu.matmul %slice3A_98, %slice3A_99, %dot_general3A_100 {dimension_numbers = #tpu.dot_dimension_numbers<[1], [1], [0], [0], [0, 0, 1, 0], [], []>, transpose_lhs_hint = false} : vector<1024x64xbf16>, vector<1024x64xbf16>, vector<1024x1024xf32> -> vector<1024x1024xf32>
    %exp3A_102 = math.exp %dot_general3A_101 : vector<1024x1024xf32>
    %convert_element_type3A_103 = arith.truncf %exp3A_102 : vector<1024x1024xf32> to vector<1024x1024xbf16>
    %slice3A_104 = vector.extract_strided_slice %mul3A_59 {offsets = [0, 128], sizes = [1024, 64], strides = [1, 1]} : vector<1024x512xf32> to vector<1024x64xf32>
    %concatenate3A_105 = tpu.concatenate %slice3A_104, %get3A_8 in 1 : vector<1024x64xf32>, vector<1024x1xf32> -> vector<1024x65xf32>
    %convert_element_type3A_106 = arith.truncf %concatenate3A_105 : vector<1024x65xf32> to vector<1024x65xbf16>
    %dot_general3A_107 = arith.constant dense<0.000000e+00> : vector<1024x65xf32>
    %dot_general3A_108 = tpu.matmul %convert_element_type3A_103, %convert_element_type3A_106, %dot_general3A_107 {dimension_numbers = #tpu.dot_dimension_numbers<[1], [0], [0], [1], [0, 0, 1, 1], [], []>, transpose_lhs_hint = false} : vector<1024x1024xbf16>, vector<1024x65xbf16>, vector<1024x65xf32> -> vector<1024x65xf32>
    %slice3A_109 = vector.extract_strided_slice %dot_general3A_108 {offsets = [0, 0], sizes = [1024, 64], strides = [1, 1]} : vector<1024x65xf32> to vector<1024x64xf32>
    %slice3A_110 = vector.extract_strided_slice %dot_general3A_108 {offsets = [0, 64], sizes = [1024, 1], strides = [1, 1]} : vector<1024x65xf32> to vector<1024x1xf32>
    %div3A_111 = arith.constant 1.000000e+00 : f32
    %div3A_112 = vector.broadcast %div3A_111 : f32 to vector<1024x1xf32>
    %div3A_113 = arith.divf %div3A_112, %slice3A_110 : vector<1024x1xf32>
    %mul3A_114 = vector.broadcast %div3A_113 : vector<1024x1xf32> to vector<1024x64xf32>
    %mul3A_115 = arith.mulf %slice3A_109, %mul3A_114 : vector<1024x64xf32>
    %slice3A_116 = vector.extract_strided_slice %convert_element_type3A_63 {offsets = [0, 192], sizes = [1024, 64], strides = [1, 1]} : vector<1024x512xbf16> to vector<1024x64xbf16>
    %slice3A_117 = vector.extract_strided_slice %convert_element_type3A_64 {offsets = [0, 192], sizes = [1024, 64], strides = [1, 1]} : vector<1024x512xbf16> to vector<1024x64xbf16>
    %dot_general3A_118 = arith.constant dense<0.000000e+00> : vector<1024x1024xf32>
    %dot_general3A_119 = tpu.matmul %slice3A_116, %slice3A_117, %dot_general3A_118 {dimension_numbers = #tpu.dot_dimension_numbers<[1], [1], [0], [0], [0, 0, 1, 0], [], []>, transpose_lhs_hint = false} : vector<1024x64xbf16>, vector<1024x64xbf16>, vector<1024x1024xf32> -> vector<1024x1024xf32>
    %exp3A_120 = math.exp %dot_general3A_119 : vector<1024x1024xf32>
    %convert_element_type3A_121 = arith.truncf %exp3A_120 : vector<1024x1024xf32> to vector<1024x1024xbf16>
    %slice3A_122 = vector.extract_strided_slice %mul3A_59 {offsets = [0, 192], sizes = [1024, 64], strides = [1, 1]} : vector<1024x512xf32> to vector<1024x64xf32>
    %concatenate3A_123 = tpu.concatenate %slice3A_122, %get3A_8 in 1 : vector<1024x64xf32>, vector<1024x1xf32> -> vector<1024x65xf32>
    %convert_element_type3A_124 = arith.truncf %concatenate3A_123 : vector<1024x65xf32> to vector<1024x65xbf16>
    %dot_general3A_125 = arith.constant dense<0.000000e+00> : vector<1024x65xf32>
    %dot_general3A_126 = tpu.matmul %convert_element_type3A_121, %convert_element_type3A_124, %dot_general3A_125 {dimension_numbers = #tpu.dot_dimension_numbers<[1], [0], [0], [1], [0, 0, 1, 1], [], []>, transpose_lhs_hint = false} : vector<1024x1024xbf16>, vector<1024x65xbf16>, vector<1024x65xf32> -> vector<1024x65xf32>
    %slice3A_127 = vector.extract_strided_slice %dot_general3A_126 {offsets = [0, 0], sizes = [1024, 64], strides = [1, 1]} : vector<1024x65xf32> to vector<1024x64xf32>
    %slice3A_128 = vector.extract_strided_slice %dot_general3A_126 {offsets = [0, 64], sizes = [1024, 1], strides = [1, 1]} : vector<1024x65xf32> to vector<1024x1xf32>
    %div3A_129 = arith.constant 1.000000e+00 : f32
    %div3A_130 = vector.broadcast %div3A_129 : f32 to vector<1024x1xf32>
    %div3A_131 = arith.divf %div3A_130, %slice3A_128 : vector<1024x1xf32>
    %mul3A_132 = vector.broadcast %div3A_131 : vector<1024x1xf32> to vector<1024x64xf32>
    %mul3A_133 = arith.mulf %slice3A_127, %mul3A_132 : vector<1024x64xf32>
    %slice3A_134 = vector.extract_strided_slice %convert_element_type3A_63 {offsets = [0, 256], sizes = [1024, 64], strides = [1, 1]} : vector<1024x512xbf16> to vector<1024x64xbf16>
    %slice3A_135 = vector.extract_strided_slice %convert_element_type3A_64 {offsets = [0, 256], sizes = [1024, 64], strides = [1, 1]} : vector<1024x512xbf16> to vector<1024x64xbf16>
    %dot_general3A_136 = arith.constant dense<0.000000e+00> : vector<1024x1024xf32>
    %dot_general3A_137 = tpu.matmul %slice3A_134, %slice3A_135, %dot_general3A_136 {dimension_numbers = #tpu.dot_dimension_numbers<[1], [1], [0], [0], [0, 0, 1, 0], [], []>, transpose_lhs_hint = false} : vector<1024x64xbf16>, vector<1024x64xbf16>, vector<1024x1024xf32> -> vector<1024x1024xf32>
    %exp3A_138 = math.exp %dot_general3A_137 : vector<1024x1024xf32>
    %convert_element_type3A_139 = arith.truncf %exp3A_138 : vector<1024x1024xf32> to vector<1024x1024xbf16>
    %slice3A_140 = vector.extract_strided_slice %mul3A_59 {offsets = [0, 256], sizes = [1024, 64], strides = [1, 1]} : vector<1024x512xf32> to vector<1024x64xf32>
    %concatenate3A_141 = tpu.concatenate %slice3A_140, %get3A_8 in 1 : vector<1024x64xf32>, vector<1024x1xf32> -> vector<1024x65xf32>
    %convert_element_type3A_142 = arith.truncf %concatenate3A_141 : vector<1024x65xf32> to vector<1024x65xbf16>
    %dot_general3A_143 = arith.constant dense<0.000000e+00> : vector<1024x65xf32>
    %dot_general3A_144 = tpu.matmul %convert_element_type3A_139, %convert_element_type3A_142, %dot_general3A_143 {dimension_numbers = #tpu.dot_dimension_numbers<[1], [0], [0], [1], [0, 0, 1, 1], [], []>, transpose_lhs_hint = false} : vector<1024x1024xbf16>, vector<1024x65xbf16>, vector<1024x65xf32> -> vector<1024x65xf32>
    %slice3A_145 = vector.extract_strided_slice %dot_general3A_144 {offsets = [0, 0], sizes = [1024, 64], strides = [1, 1]} : vector<1024x65xf32> to vector<1024x64xf32>
    %slice3A_146 = vector.extract_strided_slice %dot_general3A_144 {offsets = [0, 64], sizes = [1024, 1], strides = [1, 1]} : vector<1024x65xf32> to vector<1024x1xf32>
    %div3A_147 = arith.constant 1.000000e+00 : f32
    %div3A_148 = vector.broadcast %div3A_147 : f32 to vector<1024x1xf32>
    %div3A_149 = arith.divf %div3A_148, %slice3A_146 : vector<1024x1xf32>
    %mul3A_150 = vector.broadcast %div3A_149 : vector<1024x1xf32> to vector<1024x64xf32>
    %mul3A_151 = arith.mulf %slice3A_145, %mul3A_150 : vector<1024x64xf32>
    %slice3A_152 = vector.extract_strided_slice %convert_element_type3A_63 {offsets = [0, 320], sizes = [1024, 64], strides = [1, 1]} : vector<1024x512xbf16> to vector<1024x64xbf16>
    %slice3A_153 = vector.extract_strided_slice %convert_element_type3A_64 {offsets = [0, 320], sizes = [1024, 64], strides = [1, 1]} : vector<1024x512xbf16> to vector<1024x64xbf16>
    %dot_general3A_154 = arith.constant dense<0.000000e+00> : vector<1024x1024xf32>
    %dot_general3A_155 = tpu.matmul %slice3A_152, %slice3A_153, %dot_general3A_154 {dimension_numbers = #tpu.dot_dimension_numbers<[1], [1], [0], [0], [0, 0, 1, 0], [], []>, transpose_lhs_hint = false} : vector<1024x64xbf16>, vector<1024x64xbf16>, vector<1024x1024xf32> -> vector<1024x1024xf32>
    %exp3A_156 = math.exp %dot_general3A_155 : vector<1024x1024xf32>
    %convert_element_type3A_157 = arith.truncf %exp3A_156 : vector<1024x1024xf32> to vector<1024x1024xbf16>
    %slice3A_158 = vector.extract_strided_slice %mul3A_59 {offsets = [0, 320], sizes = [1024, 64], strides = [1, 1]} : vector<1024x512xf32> to vector<1024x64xf32>
    %concatenate3A_159 = tpu.concatenate %slice3A_158, %get3A_8 in 1 : vector<1024x64xf32>, vector<1024x1xf32> -> vector<1024x65xf32>
    %convert_element_type3A_160 = arith.truncf %concatenate3A_159 : vector<1024x65xf32> to vector<1024x65xbf16>
    %dot_general3A_161 = arith.constant dense<0.000000e+00> : vector<1024x65xf32>
    %dot_general3A_162 = tpu.matmul %convert_element_type3A_157, %convert_element_type3A_160, %dot_general3A_161 {dimension_numbers = #tpu.dot_dimension_numbers<[1], [0], [0], [1], [0, 0, 1, 1], [], []>, transpose_lhs_hint = false} : vector<1024x1024xbf16>, vector<1024x65xbf16>, vector<1024x65xf32> -> vector<1024x65xf32>
    %slice3A_163 = vector.extract_strided_slice %dot_general3A_162 {offsets = [0, 0], sizes = [1024, 64], strides = [1, 1]} : vector<1024x65xf32> to vector<1024x64xf32>
    %slice3A_164 = vector.extract_strided_slice %dot_general3A_162 {offsets = [0, 64], sizes = [1024, 1], strides = [1, 1]} : vector<1024x65xf32> to vector<1024x1xf32>
    %div3A_165 = arith.constant 1.000000e+00 : f32
    %div3A_166 = vector.broadcast %div3A_165 : f32 to vector<1024x1xf32>
    %div3A_167 = arith.divf %div3A_166, %slice3A_164 : vector<1024x1xf32>
    %mul3A_168 = vector.broadcast %div3A_167 : vector<1024x1xf32> to vector<1024x64xf32>
    %mul3A_169 = arith.mulf %slice3A_163, %mul3A_168 : vector<1024x64xf32>
    %slice3A_170 = vector.extract_strided_slice %convert_element_type3A_63 {offsets = [0, 384], sizes = [1024, 64], strides = [1, 1]} : vector<1024x512xbf16> to vector<1024x64xbf16>
    %slice3A_171 = vector.extract_strided_slice %convert_element_type3A_64 {offsets = [0, 384], sizes = [1024, 64], strides = [1, 1]} : vector<1024x512xbf16> to vector<1024x64xbf16>
    %dot_general3A_172 = arith.constant dense<0.000000e+00> : vector<1024x1024xf32>
    %dot_general3A_173 = tpu.matmul %slice3A_170, %slice3A_171, %dot_general3A_172 {dimension_numbers = #tpu.dot_dimension_numbers<[1], [1], [0], [0], [0, 0, 1, 0], [], []>, transpose_lhs_hint = false} : vector<1024x64xbf16>, vector<1024x64xbf16>, vector<1024x1024xf32> -> vector<1024x1024xf32>
    %exp3A_174 = math.exp %dot_general3A_173 : vector<1024x1024xf32>
    %convert_element_type3A_175 = arith.truncf %exp3A_174 : vector<1024x1024xf32> to vector<1024x1024xbf16>
    %slice3A_176 = vector.extract_strided_slice %mul3A_59 {offsets = [0, 384], sizes = [1024, 64], strides = [1, 1]} : vector<1024x512xf32> to vector<1024x64xf32>
    %concatenate3A_177 = tpu.concatenate %slice3A_176, %get3A_8 in 1 : vector<1024x64xf32>, vector<1024x1xf32> -> vector<1024x65xf32>
    %convert_element_type3A_178 = arith.truncf %concatenate3A_177 : vector<1024x65xf32> to vector<1024x65xbf16>
    %dot_general3A_179 = arith.constant dense<0.000000e+00> : vector<1024x65xf32>
    %dot_general3A_180 = tpu.matmul %convert_element_type3A_175, %convert_element_type3A_178, %dot_general3A_179 {dimension_numbers = #tpu.dot_dimension_numbers<[1], [0], [0], [1], [0, 0, 1, 1], [], []>, transpose_lhs_hint = false} : vector<1024x1024xbf16>, vector<1024x65xbf16>, vector<1024x65xf32> -> vector<1024x65xf32>
    %slice3A_181 = vector.extract_strided_slice %dot_general3A_180 {offsets = [0, 0], sizes = [1024, 64], strides = [1, 1]} : vector<1024x65xf32> to vector<1024x64xf32>
    %slice3A_182 = vector.extract_strided_slice %dot_general3A_180 {offsets = [0, 64], sizes = [1024, 1], strides = [1, 1]} : vector<1024x65xf32> to vector<1024x1xf32>
    %div3A_183 = arith.constant 1.000000e+00 : f32
    %div3A_184 = vector.broadcast %div3A_183 : f32 to vector<1024x1xf32>
    %div3A_185 = arith.divf %div3A_184, %slice3A_182 : vector<1024x1xf32>
    %mul3A_186 = vector.broadcast %div3A_185 : vector<1024x1xf32> to vector<1024x64xf32>
    %mul3A_187 = arith.mulf %slice3A_181, %mul3A_186 : vector<1024x64xf32>
    %slice3A_188 = vector.extract_strided_slice %convert_element_type3A_63 {offsets = [0, 448], sizes = [1024, 64], strides = [1, 1]} : vector<1024x512xbf16> to vector<1024x64xbf16>
    %slice3A_189 = vector.extract_strided_slice %convert_element_type3A_64 {offsets = [0, 448], sizes = [1024, 64], strides = [1, 1]} : vector<1024x512xbf16> to vector<1024x64xbf16>
    %dot_general3A_190 = arith.constant dense<0.000000e+00> : vector<1024x1024xf32>
    %dot_general3A_191 = tpu.matmul %slice3A_188, %slice3A_189, %dot_general3A_190 {dimension_numbers = #tpu.dot_dimension_numbers<[1], [1], [0], [0], [0, 0, 1, 0], [], []>, transpose_lhs_hint = false} : vector<1024x64xbf16>, vector<1024x64xbf16>, vector<1024x1024xf32> -> vector<1024x1024xf32>
    %exp3A_192 = math.exp %dot_general3A_191 : vector<1024x1024xf32>
    %convert_element_type3A_193 = arith.truncf %exp3A_192 : vector<1024x1024xf32> to vector<1024x1024xbf16>
    %slice3A_194 = vector.extract_strided_slice %mul3A_59 {offsets = [0, 448], sizes = [1024, 64], strides = [1, 1]} : vector<1024x512xf32> to vector<1024x64xf32>
    %concatenate3A_195 = tpu.concatenate %slice3A_194, %get3A_8 in 1 : vector<1024x64xf32>, vector<1024x1xf32> -> vector<1024x65xf32>
    %convert_element_type3A_196 = arith.truncf %concatenate3A_195 : vector<1024x65xf32> to vector<1024x65xbf16>
    %dot_general3A_197 = arith.constant dense<0.000000e+00> : vector<1024x65xf32>
    %dot_general3A_198 = tpu.matmul %convert_element_type3A_193, %convert_element_type3A_196, %dot_general3A_197 {dimension_numbers = #tpu.dot_dimension_numbers<[1], [0], [0], [1], [0, 0, 1, 1], [], []>, transpose_lhs_hint = false} : vector<1024x1024xbf16>, vector<1024x65xbf16>, vector<1024x65xf32> -> vector<1024x65xf32>
    %slice3A_199 = vector.extract_strided_slice %dot_general3A_198 {offsets = [0, 0], sizes = [1024, 64], strides = [1, 1]} : vector<1024x65xf32> to vector<1024x64xf32>
    %slice3A_200 = vector.extract_strided_slice %dot_general3A_198 {offsets = [0, 64], sizes = [1024, 1], strides = [1, 1]} : vector<1024x65xf32> to vector<1024x1xf32>
    %div3A_201 = arith.constant 1.000000e+00 : f32
    %div3A_202 = vector.broadcast %div3A_201 : f32 to vector<1024x1xf32>
    %div3A_203 = arith.divf %div3A_202, %slice3A_200 : vector<1024x1xf32>
    %mul3A_204 = vector.broadcast %div3A_203 : vector<1024x1xf32> to vector<1024x64xf32>
    %mul3A_205 = arith.mulf %slice3A_199, %mul3A_204 : vector<1024x64xf32>
    %concatenate3A_206 = tpu.concatenate %mul3A_79, %mul3A_97, %mul3A_115, %mul3A_133, %mul3A_151, %mul3A_169, %mul3A_187, %mul3A_205 in 1 : vector<1024x64xf32>, vector<1024x64xf32>, vector<1024x64xf32>, vector<1024x64xf32>, vector<1024x64xf32>, vector<1024x64xf32>, vector<1024x64xf32>, vector<1024x64xf32> -> vector<1024x512xf32>
    %convert_element_type3A_207 = arith.truncf %concatenate3A_206 : vector<1024x512xf32> to vector<1024x512xbf16>
    %get3A_208 = arith.constant 0 : index
    %get3A_209 = arith.constant 0 : index
    %get3A_210 = vector.load %arg8[%get3A_208, %get3A_209] : memref<512x512xbf16, #tpu.memory_space<vmem>>, vector<512x512xbf16>
    %dot_general3A_211 = arith.constant dense<0.000000e+00> : vector<1024x512xf32>
    %dot_general3A_212 = tpu.matmul %convert_element_type3A_207, %get3A_210, %dot_general3A_211 {dimension_numbers = #tpu.dot_dimension_numbers<[1], [0], [0], [1], [0, 0, 1, 1], [], []>, transpose_lhs_hint = false} : vector<1024x512xbf16>, vector<512x512xbf16>, vector<1024x512xf32> -> vector<1024x512xf32>
    %add3A_213 = arith.addf %add3A_15, %dot_general3A_212 : vector<1024x512xf32>
    %get3A_214 = arith.constant 0 : index
    %get3A_215 = vector.load %arg11[%get3A_214] : memref<512xf32, #tpu.memory_space<vmem>>, vector<512xf32>
    %get3A_216 = arith.constant 0 : index
    %get3A_217 = vector.load %arg12[%get3A_216] : memref<512xf32, #tpu.memory_space<vmem>>, vector<512xf32>
    %reduce_sum3A_218 = arith.constant dense<0.000000e+00> : vector<1024xf32>
    %reduce_sum3A_219 = vector.multi_reduction <add>, %add3A_213, %reduce_sum3A_218 [1] : vector<1024x512xf32> to vector<1024xf32>
    %broadcast_in_dim3A_220 = vector.shape_cast %reduce_sum3A_219 : vector<1024xf32> to vector<1024x1xf32>
    %div3A_221 = arith.constant 5.120000e+02 : f32
    %div3A_222 = vector.broadcast %div3A_221 : f32 to vector<1024x1xf32>
    %div3A_223 = arith.divf %broadcast_in_dim3A_220, %div3A_222 : vector<1024x1xf32>
    %sub3A_224 = vector.broadcast %div3A_223 : vector<1024x1xf32> to vector<1024x512xf32>
    %sub3A_225 = arith.subf %add3A_213, %sub3A_224 : vector<1024x512xf32>
    %integer_pow3A_226 = arith.mulf %sub3A_225, %sub3A_225 : vector<1024x512xf32>
    %reduce_sum3A_227 = arith.constant dense<0.000000e+00> : vector<1024xf32>
    %reduce_sum3A_228 = vector.multi_reduction <add>, %integer_pow3A_226, %reduce_sum3A_227 [1] : vector<1024x512xf32> to vector<1024xf32>
    %broadcast_in_dim3A_229 = vector.shape_cast %reduce_sum3A_228 : vector<1024xf32> to vector<1024x1xf32>
    %div3A_230 = arith.constant 5.120000e+02 : f32
    %div3A_231 = vector.broadcast %div3A_230 : f32 to vector<1024x1xf32>
    %div3A_232 = arith.divf %broadcast_in_dim3A_229, %div3A_231 : vector<1024x1xf32>
    %sub3A_233 = vector.broadcast %div3A_223 : vector<1024x1xf32> to vector<1024x512xf32>
    %sub3A_234 = arith.subf %add3A_213, %sub3A_233 : vector<1024x512xf32>
    %add3A_235 = arith.constant 9.99999974E-6 : f32
    %add3A_236 = vector.broadcast %add3A_235 : f32 to vector<1024x1xf32>
    %add3A_237 = arith.addf %div3A_232, %add3A_236 : vector<1024x1xf32>
    %rsqrt3A_238 = math.rsqrt %add3A_237 : vector<1024x1xf32>
    %mul3A_239 = vector.broadcast %rsqrt3A_238 : vector<1024x1xf32> to vector<1024x512xf32>
    %mul3A_240 = arith.mulf %sub3A_234, %mul3A_239 : vector<1024x512xf32>
    %broadcast_in_dim3A_241 = vector.shape_cast %get3A_215 : vector<512xf32> to vector<1x512xf32>
    %mul3A_242 = vector.broadcast %broadcast_in_dim3A_241 : vector<1x512xf32> to vector<1024x512xf32>
    %mul3A_243 = arith.mulf %mul3A_240, %mul3A_242 : vector<1024x512xf32>
    %broadcast_in_dim3A_244 = vector.shape_cast %get3A_217 : vector<512xf32> to vector<1x512xf32>
    %add3A_245 = vector.broadcast %broadcast_in_dim3A_244 : vector<1x512xf32> to vector<1024x512xf32>
    %add3A_246 = arith.addf %mul3A_243, %add3A_245 : vector<1024x512xf32>
    %convert_element_type3A_247 = arith.truncf %add3A_246 : vector<1024x512xf32> to vector<1024x512xbf16>
    %get3A_248 = arith.constant 0 : index
    %get3A_249 = arith.constant 0 : index
    %get3A_250 = vector.load %arg13[%get3A_248, %get3A_249] : memref<512x2048xbf16, #tpu.memory_space<vmem>>, vector<512x2048xbf16>
    %dot_general3A_251 = arith.constant dense<0.000000e+00> : vector<1024x2048xf32>
    %dot_general3A_252 = tpu.matmul %convert_element_type3A_247, %get3A_250, %dot_general3A_251 {dimension_numbers = #tpu.dot_dimension_numbers<[1], [0], [0], [1], [0, 0, 1, 1], [], []>, transpose_lhs_hint = false} : vector<1024x512xbf16>, vector<512x2048xbf16>, vector<1024x2048xf32> -> vector<1024x2048xf32>
    %get3A_253 = arith.constant 0 : index
    %get3A_254 = vector.load %arg14[%get3A_253] : memref<2048xf32, #tpu.memory_space<vmem>>, vector<2048xf32>
    %broadcast_in_dim3A_255 = vector.shape_cast %get3A_254 : vector<2048xf32> to vector<1x2048xf32>
    %add3A_256 = vector.broadcast %broadcast_in_dim3A_255 : vector<1x2048xf32> to vector<1024x2048xf32>
    %add3A_257 = arith.addf %dot_general3A_252, %add3A_256 : vector<1024x2048xf32>
    %max3A = arith.constant 0.000000e+00 : f32
    %max3A_258 = vector.broadcast %max3A : f32 to vector<1024x2048xf32>
    %max3A_259 = arith.maximumf %add3A_257, %max3A_258 : vector<1024x2048xf32>
    %convert_element_type3A_260 = arith.truncf %max3A_259 : vector<1024x2048xf32> to vector<1024x2048xbf16>
    %get3A_261 = arith.constant 0 : index
    %get3A_262 = arith.constant 0 : index
    %get3A_263 = vector.load %arg15[%get3A_261, %get3A_262] : memref<2048x512xbf16, #tpu.memory_space<vmem>>, vector<2048x512xbf16>
    %dot_general3A_264 = arith.constant dense<0.000000e+00> : vector<1024x512xf32>
    %dot_general3A_265 = tpu.matmul %convert_element_type3A_260, %get3A_263, %dot_general3A_264 {dimension_numbers = #tpu.dot_dimension_numbers<[1], [0], [0], [1], [0, 0, 1, 1], [], []>, transpose_lhs_hint = false} : vector<1024x2048xbf16>, vector<2048x512xbf16>, vector<1024x512xf32> -> vector<1024x512xf32>
    %add3A_266 = arith.addf %add3A_213, %dot_general3A_265 : vector<1024x512xf32>
    %get3A_267 = arith.constant 0 : index
    %get3A_268 = vector.load %arg16[%get3A_267] : memref<512xf32, #tpu.memory_space<vmem>>, vector<512xf32>
    %broadcast_in_dim3A_269 = vector.shape_cast %get3A_268 : vector<512xf32> to vector<1x512xf32>
    %add3A_270 = vector.broadcast %broadcast_in_dim3A_269 : vector<1x512xf32> to vector<1024x512xf32>
    %add3A_271 = arith.addf %add3A_266, %add3A_270 : vector<1024x512xf32>
    %convert_element_type3A_272 = arith.truncf %add3A_271 : vector<1024x512xf32> to vector<1024x512xbf16>
    %swap3A = arith.constant 0 : index
    %swap3A_273 = arith.constant 0 : index
    %swap3A_274 = arith.constant 0 : index
    %swap3A_275 = vector.load %arg17[%swap3A, %swap3A_273, %swap3A_274] : memref<1x1024x512xbf16, #tpu.memory_space<vmem>>, vector<1x1024x512xbf16>
    %swap3A_276 = vector.shape_cast %swap3A_275 : vector<1x1024x512xbf16> to vector<1024x512xbf16>
    %swap3A_277 = vector.shape_cast %convert_element_type3A_272 : vector<1024x512xbf16> to vector<1x1024x512xbf16>
    tpu.vector_store %arg17[%swap3A, %swap3A_273, %swap3A_274], %swap3A_277 {strides = array<i32>} : memref<1x1024x512xbf16, #tpu.memory_space<vmem>>, vector<1x1024x512xbf16>,
    return
  }
  func.func @transform_0(%arg0: i32) -> (i32, i32, i32) {
    %c0_i32 = arith.constant 0 : i32
    %c0_i32_0 = arith.constant 0 : i32
    %c0_i32_1 = arith.constant 0 : i32
    return %arg0, %c0_i32, %c0_i32_0 : i32, i32, i32
  }
  func.func @transform_1(%arg0: i32) -> (i32, i32, i32) {
    %c0_i32 = arith.constant 0 : i32
    %c0_i32_0 = arith.constant 0 : i32
    %c0_i32_1 = arith.constant 0 : i32
    return %arg0, %c0_i32, %c0_i32_0 : i32, i32, i32
  }
  func.func @transform_2(%arg0: i32) -> (i32, i32) {
    %c0_i32 = arith.constant 0 : i32
    %c0_i32_0 = arith.constant 0 : i32
    %c0_i32_1 = arith.constant 0 : i32
    return %c0_i32, %c0_i32_0 : i32, i32
  }
  func.func @transform_3(%arg0: i32) -> i32 {
    %c0_i32 = arith.constant 0 : i32
    %c0_i32_0 = arith.constant 0 : i32
    return %c0_i32 : i32
  }
  func.func @transform_4(%arg0: i32) -> (i32, i32) {
    %c0_i32 = arith.constant 0 : i32
    %c0_i32_0 = arith.constant 0 : i32
    %c0_i32_1 = arith.constant 0 : i32
    return %c0_i32, %c0_i32_0 : i32, i32
  }
  func.func @transform_5(%arg0: i32) -> (i32, i32) {
    %c0_i32 = arith.constant 0 : i32
    %c0_i32_0 = arith.constant 0 : i32
    %c0_i32_1 = arith.constant 0 : i32
    return %c0_i32, %c0_i32_0 : i32, i32
  }
  func.func @transform_6(%arg0: i32) -> (i32, i32) {
    %c0_i32 = arith.constant 0 : i32
    %c0_i32_0 = arith.constant 0 : i32
    %c0_i32_1 = arith.constant 0 : i32
    return %c0_i32, %c0_i32_0 : i32, i32
  }
  func.func @transform_7(%arg0: i32) -> (i32, i32) {
    %c0_i32 = arith.constant 0 : i32
    %c0_i32_0 = arith.constant 0 : i32
    %c0_i32_1 = arith.constant 0 : i32
    return %c0_i32, %c0_i32_0 : i32, i32
  }
  func.func @transform_8(%arg0: i32) -> i32 {
    %c0_i32 = arith.constant 0 : i32
    %c0_i32_0 = arith.constant 0 : i32
    return %c0_i32 : i32
  }
  func.func @transform_9(%arg0: i32) -> i32 {
    %c0_i32 = arith.constant 0 : i32
    %c0_i32_0 = arith.constant 0 : i32
    return %c0_i32 : i32
  }
  func.func @transform_10(%arg0: i32) -> i32 {
    %c0_i32 = arith.constant 0 : i32
    %c0_i32_0 = arith.constant 0 : i32
    return %c0_i32 : i32
  }
  func.func @transform_11(%arg0: i32) -> i32 {
    %c0_i32 = arith.constant 0 : i32
    %c0_i32_0 = arith.constant 0 : i32
    return %c0_i32 : i32
  }
  func.func @transform_12(%arg0: i32) -> (i32, i32) {
    %c0_i32 = arith.constant 0 : i32
    %c0_i32_0 = arith.constant 0 : i32
    %c0_i32_1 = arith.constant 0 : i32
    return %c0_i32, %c0_i32_0 : i32, i32
  }
  func.func @transform_13(%arg0: i32) -> i32 {
    %c0_i32 = arith.constant 0 : i32
    %c0_i32_0 = arith.constant 0 : i32
    return %c0_i32 : i32
  }
  func.func @transform_14(%arg0: i32) -> (i32, i32) {
    %c0_i32 = arith.constant 0 : i32
    %c0_i32_0 = arith.constant 0 : i32
    %c0_i32_1 = arith.constant 0 : i32
    return %c0_i32, %c0_i32_0 : i32, i32
  }
  func.func @transform_15(%arg0: i32) -> i32 {
    %c0_i32 = arith.constant 0 : i32
    %c0_i32_0 = arith.constant 0 : i32
    return %c0_i32 : i32
  }
  func.func @transform_16(%arg0: i32) -> (i32, i32, i32) {
    %c0_i32 = arith.constant 0 : i32
    %c0_i32_0 = arith.constant 0 : i32
    %c0_i32_1 = arith.constant 0 : i32
    return %arg0, %c0_i32, %c0_i32_0 : i32, i32, i32
  }
}

module attributes {stable_mosaic.version = 14 : i64} {
  func.func @_mid_body(%arg0: i32, %arg1: memref<1x1024x512xbf16, #tpu.memory_space<vmem>>, %arg2: memref<1x1024x1xf32, #tpu.memory_space<vmem>>, %arg3: memref<512x512xbf16, #tpu.memory_space<vmem>>, %arg4: memref<512x512xbf16, #tpu.memory_space<vmem>>, %arg5: memref<512x512xbf16, #tpu.memory_space<vmem>>, %arg6: memref<512x512xbf16, #tpu.memory_space<vmem>>, %arg7: memref<512xf32, #tpu.memory_space<vmem>>, %arg8: memref<512xf32, #tpu.memory_space<vmem>>, %arg9: memref<512xf32, #tpu.memory_space<vmem>>, %arg10: memref<512xf32, #tpu.memory_space<vmem>>, %arg11: memref<512x2048xbf16, #tpu.memory_space<vmem>>, %arg12: memref<2048xf32, #tpu.memory_space<vmem>>, %arg13: memref<2048x512xbf16, #tpu.memory_space<vmem>>, %arg14: memref<512xf32, #tpu.memory_space<vmem>>, %arg15: memref<1x1024x512xbf16, #tpu.memory_space<vmem>>) attributes {dimension_semantics = [#tpu.dimension_semantics<arbitrary>], iteration_bounds = array<i64: 4>, scalar_prefetch = 0 : i64, scratch_operands = 0 : i64, tpu.core_type = #tpu.core_type<tc>, window_params = [{transform_indices = @transform_0, window_bounds = array<i64: 1, 1024, 512>}, {transform_indices = @transform_1, window_bounds = array<i64: 1, 1024, 1>}, {pipeline_mode = #tpu.pipeline_mode<synchronous>, transform_indices = @transform_2, window_bounds = array<i64: 512, 512>}, {pipeline_mode = #tpu.pipeline_mode<synchronous>, transform_indices = @transform_3, window_bounds = array<i64: 512, 512>}, {pipeline_mode = #tpu.pipeline_mode<synchronous>, transform_indices = @transform_4, window_bounds = array<i64: 512, 512>}, {pipeline_mode = #tpu.pipeline_mode<synchronous>, transform_indices = @transform_5, window_bounds = array<i64: 512, 512>}, {pipeline_mode = #tpu.pipeline_mode<synchronous>, transform_indices = @transform_6, window_bounds = array<i64: 512>}, {pipeline_mode = #tpu.pipeline_mode<synchronous>, transform_indices = @transform_7, window_bounds = array<i64: 512>}, {pipeline_mode = #tpu.pipeline_mode<synchronous>, transform_indices = @transform_8, window_bounds = array<i64: 512>}, {pipeline_mode = #tpu.pipeline_mode<synchronous>, transform_indices = @transform_9, window_bounds = array<i64: 512>}, {pipeline_mode = #tpu.pipeline_mode<synchronous>, transform_indices = @transform_10, window_bounds = array<i64: 512, 2048>}, {pipeline_mode = #tpu.pipeline_mode<synchronous>, transform_indices = @transform_11, window_bounds = array<i64: 2048>}, {pipeline_mode = #tpu.pipeline_mode<synchronous>, transform_indices = @transform_12, window_bounds = array<i64: 2048, 512>}, {pipeline_mode = #tpu.pipeline_mode<synchronous>, transform_indices = @transform_13, window_bounds = array<i64: 512>}, {transform_indices = @transform_14, window_bounds = array<i64: 1, 1024, 512>}]} {
    %get3A = arith.constant 0 : index
    %get3A_0 = arith.constant 0 : index
    %get3A_1 = arith.constant 0 : index
    %get3A_2 = vector.load %arg1[%get3A, %get3A_0, %get3A_1] : memref<1x1024x512xbf16, #tpu.memory_space<vmem>>, vector<1x1024x512xbf16>
    %get3A_3 = vector.shape_cast %get3A_2 : vector<1x1024x512xbf16> to vector<1024x512xbf16>
    %convert_element_type3A = arith.extf %get3A_3 : vector<1024x512xbf16> to vector<1024x512xf32>
    %get3A_4 = arith.constant 0 : index
    %get3A_5 = arith.constant 0 : index
    %get3A_6 = arith.constant 0 : index
    %get3A_7 = vector.load %arg2[%get3A_4, %get3A_5, %get3A_6] : memref<1x1024x1xf32, #tpu.memory_space<vmem>>, vector<1x1024x1xf32>
    %get3A_8 = vector.shape_cast %get3A_7 : vector<1x1024x1xf32> to vector<1024x1xf32>
    %get3A_9 = arith.constant 0 : index
    %get3A_10 = vector.load %arg7[%get3A_9] : memref<512xf32, #tpu.memory_space<vmem>>, vector<512xf32>
    %get3A_11 = arith.constant 0 : index
    %get3A_12 = vector.load %arg8[%get3A_11] : memref<512xf32, #tpu.memory_space<vmem>>, vector<512xf32>
    %reduce_sum3A = arith.constant dense<0.000000e+00> : vector<1024xf32>
    %reduce_sum3A_13 = vector.multi_reduction <add>, %convert_element_type3A, %reduce_sum3A [1] : vector<1024x512xf32> to vector<1024xf32>
    %broadcast_in_dim3A = vector.shape_cast %reduce_sum3A_13 : vector<1024xf32> to vector<1024x1xf32>
    %div3A = arith.constant 5.120000e+02 : f32
    %div3A_14 = vector.broadcast %div3A : f32 to vector<1024x1xf32>
    %div3A_15 = arith.divf %broadcast_in_dim3A, %div3A_14 : vector<1024x1xf32>
    %sub3A = vector.broadcast %div3A_15 : vector<1024x1xf32> to vector<1024x512xf32>
    %sub3A_16 = arith.subf %convert_element_type3A, %sub3A : vector<1024x512xf32>
    %integer_pow3A = arith.mulf %sub3A_16, %sub3A_16 : vector<1024x512xf32>
    %reduce_sum3A_17 = arith.constant dense<0.000000e+00> : vector<1024xf32>
    %reduce_sum3A_18 = vector.multi_reduction <add>, %integer_pow3A, %reduce_sum3A_17 [1] : vector<1024x512xf32> to vector<1024xf32>
    %broadcast_in_dim3A_19 = vector.shape_cast %reduce_sum3A_18 : vector<1024xf32> to vector<1024x1xf32>
    %div3A_20 = arith.constant 5.120000e+02 : f32
    %div3A_21 = vector.broadcast %div3A_20 : f32 to vector<1024x1xf32>
    %div3A_22 = arith.divf %broadcast_in_dim3A_19, %div3A_21 : vector<1024x1xf32>
    %sub3A_23 = vector.broadcast %div3A_15 : vector<1024x1xf32> to vector<1024x512xf32>
    %sub3A_24 = arith.subf %convert_element_type3A, %sub3A_23 : vector<1024x512xf32>
    %add3A = arith.constant 9.99999974E-6 : f32
    %add3A_25 = vector.broadcast %add3A : f32 to vector<1024x1xf32>
    %add3A_26 = arith.addf %div3A_22, %add3A_25 : vector<1024x1xf32>
    %rsqrt3A = math.rsqrt %add3A_26 : vector<1024x1xf32>
    %mul3A = vector.broadcast %rsqrt3A : vector<1024x1xf32> to vector<1024x512xf32>
    %mul3A_27 = arith.mulf %sub3A_24, %mul3A : vector<1024x512xf32>
    %broadcast_in_dim3A_28 = vector.shape_cast %get3A_10 : vector<512xf32> to vector<1x512xf32>
    %mul3A_29 = vector.broadcast %broadcast_in_dim3A_28 : vector<1x512xf32> to vector<1024x512xf32>
    %mul3A_30 = arith.mulf %mul3A_27, %mul3A_29 : vector<1024x512xf32>
    %broadcast_in_dim3A_31 = vector.shape_cast %get3A_12 : vector<512xf32> to vector<1x512xf32>
    %add3A_32 = vector.broadcast %broadcast_in_dim3A_31 : vector<1x512xf32> to vector<1024x512xf32>
    %add3A_33 = arith.addf %mul3A_30, %add3A_32 : vector<1024x512xf32>
    %convert_element_type3A_34 = arith.truncf %add3A_33 : vector<1024x512xf32> to vector<1024x512xbf16>
    %get3A_35 = arith.constant 0 : index
    %get3A_36 = arith.constant 0 : index
    %get3A_37 = vector.load %arg3[%get3A_35, %get3A_36] : memref<512x512xbf16, #tpu.memory_space<vmem>>, vector<512x512xbf16>
    %dot_general3A = arith.constant dense<0.000000e+00> : vector<1024x512xf32>
    %dot_general3A_38 = tpu.matmul %convert_element_type3A_34, %get3A_37, %dot_general3A {dimension_numbers = #tpu.dot_dimension_numbers<[1], [0], [0], [1], [0, 0, 1, 1], [], []>, transpose_lhs_hint = false} : vector<1024x512xbf16>, vector<512x512xbf16>, vector<1024x512xf32> -> vector<1024x512xf32>
    %get3A_39 = arith.constant 0 : index
    %get3A_40 = arith.constant 0 : index
    %get3A_41 = vector.load %arg4[%get3A_39, %get3A_40] : memref<512x512xbf16, #tpu.memory_space<vmem>>, vector<512x512xbf16>
    %dot_general3A_42 = arith.constant dense<0.000000e+00> : vector<1024x512xf32>
    %dot_general3A_43 = tpu.matmul %convert_element_type3A_34, %get3A_41, %dot_general3A_42 {dimension_numbers = #tpu.dot_dimension_numbers<[1], [0], [0], [1], [0, 0, 1, 1], [], []>, transpose_lhs_hint = false} : vector<1024x512xbf16>, vector<512x512xbf16>, vector<1024x512xf32> -> vector<1024x512xf32>
    %get3A_44 = arith.constant 0 : index
    %get3A_45 = arith.constant 0 : index
    %get3A_46 = vector.load %arg5[%get3A_44, %get3A_45] : memref<512x512xbf16, #tpu.memory_space<vmem>>, vector<512x512xbf16>
    %dot_general3A_47 = arith.constant dense<0.000000e+00> : vector<1024x512xf32>
    %dot_general3A_48 = tpu.matmul %convert_element_type3A_34, %get3A_46, %dot_general3A_47 {dimension_numbers = #tpu.dot_dimension_numbers<[1], [0], [0], [1], [0, 0, 1, 1], [], []>, transpose_lhs_hint = false} : vector<1024x512xbf16>, vector<512x512xbf16>, vector<1024x512xf32> -> vector<1024x512xf32>
    %mul3A_49 = vector.broadcast %get3A_8 : vector<1024x1xf32> to vector<1024x512xf32>
    %mul3A_50 = arith.mulf %dot_general3A_48, %mul3A_49 : vector<1024x512xf32>
    %mul3A_51 = arith.constant 1.250000e-01 : f32
    %mul3A_52 = vector.broadcast %mul3A_51 : f32 to vector<1024x512xf32>
    %mul3A_53 = arith.mulf %dot_general3A_38, %mul3A_52 : vector<1024x512xf32>
    %convert_element_type3A_54 = arith.truncf %mul3A_53 : vector<1024x512xf32> to vector<1024x512xbf16>
    %convert_element_type3A_55 = arith.truncf %dot_general3A_43 : vector<1024x512xf32> to vector<1024x512xbf16>
    %slice3A = vector.extract_strided_slice %convert_element_type3A_54 {offsets = [0, 0], sizes = [1024, 64], strides = [1, 1]} : vector<1024x512xbf16> to vector<1024x64xbf16>
    %slice3A_56 = vector.extract_strided_slice %convert_element_type3A_55 {offsets = [0, 0], sizes = [1024, 64], strides = [1, 1]} : vector<1024x512xbf16> to vector<1024x64xbf16>
    %dot_general3A_57 = arith.constant dense<0.000000e+00> : vector<1024x1024xf32>
    %dot_general3A_58 = tpu.matmul %slice3A, %slice3A_56, %dot_general3A_57 {dimension_numbers = #tpu.dot_dimension_numbers<[1], [1], [0], [0], [0, 0, 1, 0], [], []>, transpose_lhs_hint = false} : vector<1024x64xbf16>, vector<1024x64xbf16>, vector<1024x1024xf32> -> vector<1024x1024xf32>
    %exp3A = math.exp %dot_general3A_58 : vector<1024x1024xf32>
    %convert_element_type3A_59 = arith.truncf %exp3A : vector<1024x1024xf32> to vector<1024x1024xbf16>
    %slice3A_60 = vector.extract_strided_slice %mul3A_50 {offsets = [0, 0], sizes = [1024, 64], strides = [1, 1]} : vector<1024x512xf32> to vector<1024x64xf32>
    %concatenate3A = tpu.concatenate %slice3A_60, %get3A_8 in 1 : vector<1024x64xf32>, vector<1024x1xf32> -> vector<1024x65xf32>
    %convert_element_type3A_61 = arith.truncf %concatenate3A : vector<1024x65xf32> to vector<1024x65xbf16>
    %dot_general3A_62 = arith.constant dense<0.000000e+00> : vector<1024x65xf32>
    %dot_general3A_63 = tpu.matmul %convert_element_type3A_59, %convert_element_type3A_61, %dot_general3A_62 {dimension_numbers = #tpu.dot_dimension_numbers<[1], [0], [0], [1], [0, 0, 1, 1], [], []>, transpose_lhs_hint = false} : vector<1024x1024xbf16>, vector<1024x65xbf16>, vector<1024x65xf32> -> vector<1024x65xf32>
    %slice3A_64 = vector.extract_strided_slice %dot_general3A_63 {offsets = [0, 0], sizes = [1024, 64], strides = [1, 1]} : vector<1024x65xf32> to vector<1024x64xf32>
    %slice3A_65 = vector.extract_strided_slice %dot_general3A_63 {offsets = [0, 64], sizes = [1024, 1], strides = [1, 1]} : vector<1024x65xf32> to vector<1024x1xf32>
    %div3A_66 = arith.constant 1.000000e+00 : f32
    %div3A_67 = vector.broadcast %div3A_66 : f32 to vector<1024x1xf32>
    %div3A_68 = arith.divf %div3A_67, %slice3A_65 : vector<1024x1xf32>
    %mul3A_69 = vector.broadcast %div3A_68 : vector<1024x1xf32> to vector<1024x64xf32>
    %mul3A_70 = arith.mulf %slice3A_64, %mul3A_69 : vector<1024x64xf32>
    %slice3A_71 = vector.extract_strided_slice %convert_element_type3A_54 {offsets = [0, 64], sizes = [1024, 64], strides = [1, 1]} : vector<1024x512xbf16> to vector<1024x64xbf16>
    %slice3A_72 = vector.extract_strided_slice %convert_element_type3A_55 {offsets = [0, 64], sizes = [1024, 64], strides = [1, 1]} : vector<1024x512xbf16> to vector<1024x64xbf16>
    %dot_general3A_73 = arith.constant dense<0.000000e+00> : vector<1024x1024xf32>
    %dot_general3A_74 = tpu.matmul %slice3A_71, %slice3A_72, %dot_general3A_73 {dimension_numbers = #tpu.dot_dimension_numbers<[1], [1], [0], [0], [0, 0, 1, 0], [], []>, transpose_lhs_hint = false} : vector<1024x64xbf16>, vector<1024x64xbf16>, vector<1024x1024xf32> -> vector<1024x1024xf32>
    %exp3A_75 = math.exp %dot_general3A_74 : vector<1024x1024xf32>
    %convert_element_type3A_76 = arith.truncf %exp3A_75 : vector<1024x1024xf32> to vector<1024x1024xbf16>
    %slice3A_77 = vector.extract_strided_slice %mul3A_50 {offsets = [0, 64], sizes = [1024, 64], strides = [1, 1]} : vector<1024x512xf32> to vector<1024x64xf32>
    %concatenate3A_78 = tpu.concatenate %slice3A_77, %get3A_8 in 1 : vector<1024x64xf32>, vector<1024x1xf32> -> vector<1024x65xf32>
    %convert_element_type3A_79 = arith.truncf %concatenate3A_78 : vector<1024x65xf32> to vector<1024x65xbf16>
    %dot_general3A_80 = arith.constant dense<0.000000e+00> : vector<1024x65xf32>
    %dot_general3A_81 = tpu.matmul %convert_element_type3A_76, %convert_element_type3A_79, %dot_general3A_80 {dimension_numbers = #tpu.dot_dimension_numbers<[1], [0], [0], [1], [0, 0, 1, 1], [], []>, transpose_lhs_hint = false} : vector<1024x1024xbf16>, vector<1024x65xbf16>, vector<1024x65xf32> -> vector<1024x65xf32>
    %slice3A_82 = vector.extract_strided_slice %dot_general3A_81 {offsets = [0, 0], sizes = [1024, 64], strides = [1, 1]} : vector<1024x65xf32> to vector<1024x64xf32>
    %slice3A_83 = vector.extract_strided_slice %dot_general3A_81 {offsets = [0, 64], sizes = [1024, 1], strides = [1, 1]} : vector<1024x65xf32> to vector<1024x1xf32>
    %div3A_84 = arith.constant 1.000000e+00 : f32
    %div3A_85 = vector.broadcast %div3A_84 : f32 to vector<1024x1xf32>
    %div3A_86 = arith.divf %div3A_85, %slice3A_83 : vector<1024x1xf32>
    %mul3A_87 = vector.broadcast %div3A_86 : vector<1024x1xf32> to vector<1024x64xf32>
    %mul3A_88 = arith.mulf %slice3A_82, %mul3A_87 : vector<1024x64xf32>
    %slice3A_89 = vector.extract_strided_slice %convert_element_type3A_54 {offsets = [0, 128], sizes = [1024, 64], strides = [1, 1]} : vector<1024x512xbf16> to vector<1024x64xbf16>
    %slice3A_90 = vector.extract_strided_slice %convert_element_type3A_55 {offsets = [0, 128], sizes = [1024, 64], strides = [1, 1]} : vector<1024x512xbf16> to vector<1024x64xbf16>
    %dot_general3A_91 = arith.constant dense<0.000000e+00> : vector<1024x1024xf32>
    %dot_general3A_92 = tpu.matmul %slice3A_89, %slice3A_90, %dot_general3A_91 {dimension_numbers = #tpu.dot_dimension_numbers<[1], [1], [0], [0], [0, 0, 1, 0], [], []>, transpose_lhs_hint = false} : vector<1024x64xbf16>, vector<1024x64xbf16>, vector<1024x1024xf32> -> vector<1024x1024xf32>
    %exp3A_93 = math.exp %dot_general3A_92 : vector<1024x1024xf32>
    %convert_element_type3A_94 = arith.truncf %exp3A_93 : vector<1024x1024xf32> to vector<1024x1024xbf16>
    %slice3A_95 = vector.extract_strided_slice %mul3A_50 {offsets = [0, 128], sizes = [1024, 64], strides = [1, 1]} : vector<1024x512xf32> to vector<1024x64xf32>
    %concatenate3A_96 = tpu.concatenate %slice3A_95, %get3A_8 in 1 : vector<1024x64xf32>, vector<1024x1xf32> -> vector<1024x65xf32>
    %convert_element_type3A_97 = arith.truncf %concatenate3A_96 : vector<1024x65xf32> to vector<1024x65xbf16>
    %dot_general3A_98 = arith.constant dense<0.000000e+00> : vector<1024x65xf32>
    %dot_general3A_99 = tpu.matmul %convert_element_type3A_94, %convert_element_type3A_97, %dot_general3A_98 {dimension_numbers = #tpu.dot_dimension_numbers<[1], [0], [0], [1], [0, 0, 1, 1], [], []>, transpose_lhs_hint = false} : vector<1024x1024xbf16>, vector<1024x65xbf16>, vector<1024x65xf32> -> vector<1024x65xf32>
    %slice3A_100 = vector.extract_strided_slice %dot_general3A_99 {offsets = [0, 0], sizes = [1024, 64], strides = [1, 1]} : vector<1024x65xf32> to vector<1024x64xf32>
    %slice3A_101 = vector.extract_strided_slice %dot_general3A_99 {offsets = [0, 64], sizes = [1024, 1], strides = [1, 1]} : vector<1024x65xf32> to vector<1024x1xf32>
    %div3A_102 = arith.constant 1.000000e+00 : f32
    %div3A_103 = vector.broadcast %div3A_102 : f32 to vector<1024x1xf32>
    %div3A_104 = arith.divf %div3A_103, %slice3A_101 : vector<1024x1xf32>
    %mul3A_105 = vector.broadcast %div3A_104 : vector<1024x1xf32> to vector<1024x64xf32>
    %mul3A_106 = arith.mulf %slice3A_100, %mul3A_105 : vector<1024x64xf32>
    %slice3A_107 = vector.extract_strided_slice %convert_element_type3A_54 {offsets = [0, 192], sizes = [1024, 64], strides = [1, 1]} : vector<1024x512xbf16> to vector<1024x64xbf16>
    %slice3A_108 = vector.extract_strided_slice %convert_element_type3A_55 {offsets = [0, 192], sizes = [1024, 64], strides = [1, 1]} : vector<1024x512xbf16> to vector<1024x64xbf16>
    %dot_general3A_109 = arith.constant dense<0.000000e+00> : vector<1024x1024xf32>
    %dot_general3A_110 = tpu.matmul %slice3A_107, %slice3A_108, %dot_general3A_109 {dimension_numbers = #tpu.dot_dimension_numbers<[1], [1], [0], [0], [0, 0, 1, 0], [], []>, transpose_lhs_hint = false} : vector<1024x64xbf16>, vector<1024x64xbf16>, vector<1024x1024xf32> -> vector<1024x1024xf32>
    %exp3A_111 = math.exp %dot_general3A_110 : vector<1024x1024xf32>
    %convert_element_type3A_112 = arith.truncf %exp3A_111 : vector<1024x1024xf32> to vector<1024x1024xbf16>
    %slice3A_113 = vector.extract_strided_slice %mul3A_50 {offsets = [0, 192], sizes = [1024, 64], strides = [1, 1]} : vector<1024x512xf32> to vector<1024x64xf32>
    %concatenate3A_114 = tpu.concatenate %slice3A_113, %get3A_8 in 1 : vector<1024x64xf32>, vector<1024x1xf32> -> vector<1024x65xf32>
    %convert_element_type3A_115 = arith.truncf %concatenate3A_114 : vector<1024x65xf32> to vector<1024x65xbf16>
    %dot_general3A_116 = arith.constant dense<0.000000e+00> : vector<1024x65xf32>
    %dot_general3A_117 = tpu.matmul %convert_element_type3A_112, %convert_element_type3A_115, %dot_general3A_116 {dimension_numbers = #tpu.dot_dimension_numbers<[1], [0], [0], [1], [0, 0, 1, 1], [], []>, transpose_lhs_hint = false} : vector<1024x1024xbf16>, vector<1024x65xbf16>, vector<1024x65xf32> -> vector<1024x65xf32>
    %slice3A_118 = vector.extract_strided_slice %dot_general3A_117 {offsets = [0, 0], sizes = [1024, 64], strides = [1, 1]} : vector<1024x65xf32> to vector<1024x64xf32>
    %slice3A_119 = vector.extract_strided_slice %dot_general3A_117 {offsets = [0, 64], sizes = [1024, 1], strides = [1, 1]} : vector<1024x65xf32> to vector<1024x1xf32>
    %div3A_120 = arith.constant 1.000000e+00 : f32
    %div3A_121 = vector.broadcast %div3A_120 : f32 to vector<1024x1xf32>
    %div3A_122 = arith.divf %div3A_121, %slice3A_119 : vector<1024x1xf32>
    %mul3A_123 = vector.broadcast %div3A_122 : vector<1024x1xf32> to vector<1024x64xf32>
    %mul3A_124 = arith.mulf %slice3A_118, %mul3A_123 : vector<1024x64xf32>
    %slice3A_125 = vector.extract_strided_slice %convert_element_type3A_54 {offsets = [0, 256], sizes = [1024, 64], strides = [1, 1]} : vector<1024x512xbf16> to vector<1024x64xbf16>
    %slice3A_126 = vector.extract_strided_slice %convert_element_type3A_55 {offsets = [0, 256], sizes = [1024, 64], strides = [1, 1]} : vector<1024x512xbf16> to vector<1024x64xbf16>
    %dot_general3A_127 = arith.constant dense<0.000000e+00> : vector<1024x1024xf32>
    %dot_general3A_128 = tpu.matmul %slice3A_125, %slice3A_126, %dot_general3A_127 {dimension_numbers = #tpu.dot_dimension_numbers<[1], [1], [0], [0], [0, 0, 1, 0], [], []>, transpose_lhs_hint = false} : vector<1024x64xbf16>, vector<1024x64xbf16>, vector<1024x1024xf32> -> vector<1024x1024xf32>
    %exp3A_129 = math.exp %dot_general3A_128 : vector<1024x1024xf32>
    %convert_element_type3A_130 = arith.truncf %exp3A_129 : vector<1024x1024xf32> to vector<1024x1024xbf16>
    %slice3A_131 = vector.extract_strided_slice %mul3A_50 {offsets = [0, 256], sizes = [1024, 64], strides = [1, 1]} : vector<1024x512xf32> to vector<1024x64xf32>
    %concatenate3A_132 = tpu.concatenate %slice3A_131, %get3A_8 in 1 : vector<1024x64xf32>, vector<1024x1xf32> -> vector<1024x65xf32>
    %convert_element_type3A_133 = arith.truncf %concatenate3A_132 : vector<1024x65xf32> to vector<1024x65xbf16>
    %dot_general3A_134 = arith.constant dense<0.000000e+00> : vector<1024x65xf32>
    %dot_general3A_135 = tpu.matmul %convert_element_type3A_130, %convert_element_type3A_133, %dot_general3A_134 {dimension_numbers = #tpu.dot_dimension_numbers<[1], [0], [0], [1], [0, 0, 1, 1], [], []>, transpose_lhs_hint = false} : vector<1024x1024xbf16>, vector<1024x65xbf16>, vector<1024x65xf32> -> vector<1024x65xf32>
    %slice3A_136 = vector.extract_strided_slice %dot_general3A_135 {offsets = [0, 0], sizes = [1024, 64], strides = [1, 1]} : vector<1024x65xf32> to vector<1024x64xf32>
    %slice3A_137 = vector.extract_strided_slice %dot_general3A_135 {offsets = [0, 64], sizes = [1024, 1], strides = [1, 1]} : vector<1024x65xf32> to vector<1024x1xf32>
    %div3A_138 = arith.constant 1.000000e+00 : f32
    %div3A_139 = vector.broadcast %div3A_138 : f32 to vector<1024x1xf32>
    %div3A_140 = arith.divf %div3A_139, %slice3A_137 : vector<1024x1xf32>
    %mul3A_141 = vector.broadcast %div3A_140 : vector<1024x1xf32> to vector<1024x64xf32>
    %mul3A_142 = arith.mulf %slice3A_136, %mul3A_141 : vector<1024x64xf32>
    %slice3A_143 = vector.extract_strided_slice %convert_element_type3A_54 {offsets = [0, 320], sizes = [1024, 64], strides = [1, 1]} : vector<1024x512xbf16> to vector<1024x64xbf16>
    %slice3A_144 = vector.extract_strided_slice %convert_element_type3A_55 {offsets = [0, 320], sizes = [1024, 64], strides = [1, 1]} : vector<1024x512xbf16> to vector<1024x64xbf16>
    %dot_general3A_145 = arith.constant dense<0.000000e+00> : vector<1024x1024xf32>
    %dot_general3A_146 = tpu.matmul %slice3A_143, %slice3A_144, %dot_general3A_145 {dimension_numbers = #tpu.dot_dimension_numbers<[1], [1], [0], [0], [0, 0, 1, 0], [], []>, transpose_lhs_hint = false} : vector<1024x64xbf16>, vector<1024x64xbf16>, vector<1024x1024xf32> -> vector<1024x1024xf32>
    %exp3A_147 = math.exp %dot_general3A_146 : vector<1024x1024xf32>
    %convert_element_type3A_148 = arith.truncf %exp3A_147 : vector<1024x1024xf32> to vector<1024x1024xbf16>
    %slice3A_149 = vector.extract_strided_slice %mul3A_50 {offsets = [0, 320], sizes = [1024, 64], strides = [1, 1]} : vector<1024x512xf32> to vector<1024x64xf32>
    %concatenate3A_150 = tpu.concatenate %slice3A_149, %get3A_8 in 1 : vector<1024x64xf32>, vector<1024x1xf32> -> vector<1024x65xf32>
    %convert_element_type3A_151 = arith.truncf %concatenate3A_150 : vector<1024x65xf32> to vector<1024x65xbf16>
    %dot_general3A_152 = arith.constant dense<0.000000e+00> : vector<1024x65xf32>
    %dot_general3A_153 = tpu.matmul %convert_element_type3A_148, %convert_element_type3A_151, %dot_general3A_152 {dimension_numbers = #tpu.dot_dimension_numbers<[1], [0], [0], [1], [0, 0, 1, 1], [], []>, transpose_lhs_hint = false} : vector<1024x1024xbf16>, vector<1024x65xbf16>, vector<1024x65xf32> -> vector<1024x65xf32>
    %slice3A_154 = vector.extract_strided_slice %dot_general3A_153 {offsets = [0, 0], sizes = [1024, 64], strides = [1, 1]} : vector<1024x65xf32> to vector<1024x64xf32>
    %slice3A_155 = vector.extract_strided_slice %dot_general3A_153 {offsets = [0, 64], sizes = [1024, 1], strides = [1, 1]} : vector<1024x65xf32> to vector<1024x1xf32>
    %div3A_156 = arith.constant 1.000000e+00 : f32
    %div3A_157 = vector.broadcast %div3A_156 : f32 to vector<1024x1xf32>
    %div3A_158 = arith.divf %div3A_157, %slice3A_155 : vector<1024x1xf32>
    %mul3A_159 = vector.broadcast %div3A_158 : vector<1024x1xf32> to vector<1024x64xf32>
    %mul3A_160 = arith.mulf %slice3A_154, %mul3A_159 : vector<1024x64xf32>
    %slice3A_161 = vector.extract_strided_slice %convert_element_type3A_54 {offsets = [0, 384], sizes = [1024, 64], strides = [1, 1]} : vector<1024x512xbf16> to vector<1024x64xbf16>
    %slice3A_162 = vector.extract_strided_slice %convert_element_type3A_55 {offsets = [0, 384], sizes = [1024, 64], strides = [1, 1]} : vector<1024x512xbf16> to vector<1024x64xbf16>
    %dot_general3A_163 = arith.constant dense<0.000000e+00> : vector<1024x1024xf32>
    %dot_general3A_164 = tpu.matmul %slice3A_161, %slice3A_162, %dot_general3A_163 {dimension_numbers = #tpu.dot_dimension_numbers<[1], [1], [0], [0], [0, 0, 1, 0], [], []>, transpose_lhs_hint = false} : vector<1024x64xbf16>, vector<1024x64xbf16>, vector<1024x1024xf32> -> vector<1024x1024xf32>
    %exp3A_165 = math.exp %dot_general3A_164 : vector<1024x1024xf32>
    %convert_element_type3A_166 = arith.truncf %exp3A_165 : vector<1024x1024xf32> to vector<1024x1024xbf16>
    %slice3A_167 = vector.extract_strided_slice %mul3A_50 {offsets = [0, 384], sizes = [1024, 64], strides = [1, 1]} : vector<1024x512xf32> to vector<1024x64xf32>
    %concatenate3A_168 = tpu.concatenate %slice3A_167, %get3A_8 in 1 : vector<1024x64xf32>, vector<1024x1xf32> -> vector<1024x65xf32>
    %convert_element_type3A_169 = arith.truncf %concatenate3A_168 : vector<1024x65xf32> to vector<1024x65xbf16>
    %dot_general3A_170 = arith.constant dense<0.000000e+00> : vector<1024x65xf32>
    %dot_general3A_171 = tpu.matmul %convert_element_type3A_166, %convert_element_type3A_169, %dot_general3A_170 {dimension_numbers = #tpu.dot_dimension_numbers<[1], [0], [0], [1], [0, 0, 1, 1], [], []>, transpose_lhs_hint = false} : vector<1024x1024xbf16>, vector<1024x65xbf16>, vector<1024x65xf32> -> vector<1024x65xf32>
    %slice3A_172 = vector.extract_strided_slice %dot_general3A_171 {offsets = [0, 0], sizes = [1024, 64], strides = [1, 1]} : vector<1024x65xf32> to vector<1024x64xf32>
    %slice3A_173 = vector.extract_strided_slice %dot_general3A_171 {offsets = [0, 64], sizes = [1024, 1], strides = [1, 1]} : vector<1024x65xf32> to vector<1024x1xf32>
    %div3A_174 = arith.constant 1.000000e+00 : f32
    %div3A_175 = vector.broadcast %div3A_174 : f32 to vector<1024x1xf32>
    %div3A_176 = arith.divf %div3A_175, %slice3A_173 : vector<1024x1xf32>
    %mul3A_177 = vector.broadcast %div3A_176 : vector<1024x1xf32> to vector<1024x64xf32>
    %mul3A_178 = arith.mulf %slice3A_172, %mul3A_177 : vector<1024x64xf32>
    %slice3A_179 = vector.extract_strided_slice %convert_element_type3A_54 {offsets = [0, 448], sizes = [1024, 64], strides = [1, 1]} : vector<1024x512xbf16> to vector<1024x64xbf16>
    %slice3A_180 = vector.extract_strided_slice %convert_element_type3A_55 {offsets = [0, 448], sizes = [1024, 64], strides = [1, 1]} : vector<1024x512xbf16> to vector<1024x64xbf16>
    %dot_general3A_181 = arith.constant dense<0.000000e+00> : vector<1024x1024xf32>
    %dot_general3A_182 = tpu.matmul %slice3A_179, %slice3A_180, %dot_general3A_181 {dimension_numbers = #tpu.dot_dimension_numbers<[1], [1], [0], [0], [0, 0, 1, 0], [], []>, transpose_lhs_hint = false} : vector<1024x64xbf16>, vector<1024x64xbf16>, vector<1024x1024xf32> -> vector<1024x1024xf32>
    %exp3A_183 = math.exp %dot_general3A_182 : vector<1024x1024xf32>
    %convert_element_type3A_184 = arith.truncf %exp3A_183 : vector<1024x1024xf32> to vector<1024x1024xbf16>
    %slice3A_185 = vector.extract_strided_slice %mul3A_50 {offsets = [0, 448], sizes = [1024, 64], strides = [1, 1]} : vector<1024x512xf32> to vector<1024x64xf32>
    %concatenate3A_186 = tpu.concatenate %slice3A_185, %get3A_8 in 1 : vector<1024x64xf32>, vector<1024x1xf32> -> vector<1024x65xf32>
    %convert_element_type3A_187 = arith.truncf %concatenate3A_186 : vector<1024x65xf32> to vector<1024x65xbf16>
    %dot_general3A_188 = arith.constant dense<0.000000e+00> : vector<1024x65xf32>
    %dot_general3A_189 = tpu.matmul %convert_element_type3A_184, %convert_element_type3A_187, %dot_general3A_188 {dimension_numbers = #tpu.dot_dimension_numbers<[1], [0], [0], [1], [0, 0, 1, 1], [], []>, transpose_lhs_hint = false} : vector<1024x1024xbf16>, vector<1024x65xbf16>, vector<1024x65xf32> -> vector<1024x65xf32>
    %slice3A_190 = vector.extract_strided_slice %dot_general3A_189 {offsets = [0, 0], sizes = [1024, 64], strides = [1, 1]} : vector<1024x65xf32> to vector<1024x64xf32>
    %slice3A_191 = vector.extract_strided_slice %dot_general3A_189 {offsets = [0, 64], sizes = [1024, 1], strides = [1, 1]} : vector<1024x65xf32> to vector<1024x1xf32>
    %div3A_192 = arith.constant 1.000000e+00 : f32
    %div3A_193 = vector.broadcast %div3A_192 : f32 to vector<1024x1xf32>
    %div3A_194 = arith.divf %div3A_193, %slice3A_191 : vector<1024x1xf32>
    %mul3A_195 = vector.broadcast %div3A_194 : vector<1024x1xf32> to vector<1024x64xf32>
    %mul3A_196 = arith.mulf %slice3A_190, %mul3A_195 : vector<1024x64xf32>
    %concatenate3A_197 = tpu.concatenate %mul3A_70, %mul3A_88, %mul3A_106, %mul3A_124, %mul3A_142, %mul3A_160, %mul3A_178, %mul3A_196 in 1 : vector<1024x64xf32>, vector<1024x64xf32>, vector<1024x64xf32>, vector<1024x64xf32>, vector<1024x64xf32>, vector<1024x64xf32>, vector<1024x64xf32>, vector<1024x64xf32> -> vector<1024x512xf32>
    %convert_element_type3A_198 = arith.truncf %concatenate3A_197 : vector<1024x512xf32> to vector<1024x512xbf16>
    %get3A_199 = arith.constant 0 : index
    %get3A_200 = arith.constant 0 : index
    %get3A_201 = vector.load %arg6[%get3A_199, %get3A_200] : memref<512x512xbf16, #tpu.memory_space<vmem>>, vector<512x512xbf16>
    %dot_general3A_202 = arith.constant dense<0.000000e+00> : vector<1024x512xf32>
    %dot_general3A_203 = tpu.matmul %convert_element_type3A_198, %get3A_201, %dot_general3A_202 {dimension_numbers = #tpu.dot_dimension_numbers<[1], [0], [0], [1], [0, 0, 1, 1], [], []>, transpose_lhs_hint = false} : vector<1024x512xbf16>, vector<512x512xbf16>, vector<1024x512xf32> -> vector<1024x512xf32>
    %add3A_204 = arith.addf %convert_element_type3A, %dot_general3A_203 : vector<1024x512xf32>
    %get3A_205 = arith.constant 0 : index
    %get3A_206 = vector.load %arg9[%get3A_205] : memref<512xf32, #tpu.memory_space<vmem>>, vector<512xf32>
    %get3A_207 = arith.constant 0 : index
    %get3A_208 = vector.load %arg10[%get3A_207] : memref<512xf32, #tpu.memory_space<vmem>>, vector<512xf32>
    %reduce_sum3A_209 = arith.constant dense<0.000000e+00> : vector<1024xf32>
    %reduce_sum3A_210 = vector.multi_reduction <add>, %add3A_204, %reduce_sum3A_209 [1] : vector<1024x512xf32> to vector<1024xf32>
    %broadcast_in_dim3A_211 = vector.shape_cast %reduce_sum3A_210 : vector<1024xf32> to vector<1024x1xf32>
    %div3A_212 = arith.constant 5.120000e+02 : f32
    %div3A_213 = vector.broadcast %div3A_212 : f32 to vector<1024x1xf32>
    %div3A_214 = arith.divf %broadcast_in_dim3A_211, %div3A_213 : vector<1024x1xf32>
    %sub3A_215 = vector.broadcast %div3A_214 : vector<1024x1xf32> to vector<1024x512xf32>
    %sub3A_216 = arith.subf %add3A_204, %sub3A_215 : vector<1024x512xf32>
    %integer_pow3A_217 = arith.mulf %sub3A_216, %sub3A_216 : vector<1024x512xf32>
    %reduce_sum3A_218 = arith.constant dense<0.000000e+00> : vector<1024xf32>
    %reduce_sum3A_219 = vector.multi_reduction <add>, %integer_pow3A_217, %reduce_sum3A_218 [1] : vector<1024x512xf32> to vector<1024xf32>
    %broadcast_in_dim3A_220 = vector.shape_cast %reduce_sum3A_219 : vector<1024xf32> to vector<1024x1xf32>
    %div3A_221 = arith.constant 5.120000e+02 : f32
    %div3A_222 = vector.broadcast %div3A_221 : f32 to vector<1024x1xf32>
    %div3A_223 = arith.divf %broadcast_in_dim3A_220, %div3A_222 : vector<1024x1xf32>
    %sub3A_224 = vector.broadcast %div3A_214 : vector<1024x1xf32> to vector<1024x512xf32>
    %sub3A_225 = arith.subf %add3A_204, %sub3A_224 : vector<1024x512xf32>
    %add3A_226 = arith.constant 9.99999974E-6 : f32
    %add3A_227 = vector.broadcast %add3A_226 : f32 to vector<1024x1xf32>
    %add3A_228 = arith.addf %div3A_223, %add3A_227 : vector<1024x1xf32>
    %rsqrt3A_229 = math.rsqrt %add3A_228 : vector<1024x1xf32>
    %mul3A_230 = vector.broadcast %rsqrt3A_229 : vector<1024x1xf32> to vector<1024x512xf32>
    %mul3A_231 = arith.mulf %sub3A_225, %mul3A_230 : vector<1024x512xf32>
    %broadcast_in_dim3A_232 = vector.shape_cast %get3A_206 : vector<512xf32> to vector<1x512xf32>
    %mul3A_233 = vector.broadcast %broadcast_in_dim3A_232 : vector<1x512xf32> to vector<1024x512xf32>
    %mul3A_234 = arith.mulf %mul3A_231, %mul3A_233 : vector<1024x512xf32>
    %broadcast_in_dim3A_235 = vector.shape_cast %get3A_208 : vector<512xf32> to vector<1x512xf32>
    %add3A_236 = vector.broadcast %broadcast_in_dim3A_235 : vector<1x512xf32> to vector<1024x512xf32>
    %add3A_237 = arith.addf %mul3A_234, %add3A_236 : vector<1024x512xf32>
    %convert_element_type3A_238 = arith.truncf %add3A_237 : vector<1024x512xf32> to vector<1024x512xbf16>
    %get3A_239 = arith.constant 0 : index
    %get3A_240 = arith.constant 0 : index
    %get3A_241 = vector.load %arg11[%get3A_239, %get3A_240] : memref<512x2048xbf16, #tpu.memory_space<vmem>>, vector<512x2048xbf16>
    %dot_general3A_242 = arith.constant dense<0.000000e+00> : vector<1024x2048xf32>
    %dot_general3A_243 = tpu.matmul %convert_element_type3A_238, %get3A_241, %dot_general3A_242 {dimension_numbers = #tpu.dot_dimension_numbers<[1], [0], [0], [1], [0, 0, 1, 1], [], []>, transpose_lhs_hint = false} : vector<1024x512xbf16>, vector<512x2048xbf16>, vector<1024x2048xf32> -> vector<1024x2048xf32>
    %get3A_244 = arith.constant 0 : index
    %get3A_245 = vector.load %arg12[%get3A_244] : memref<2048xf32, #tpu.memory_space<vmem>>, vector<2048xf32>
    %broadcast_in_dim3A_246 = vector.shape_cast %get3A_245 : vector<2048xf32> to vector<1x2048xf32>
    %add3A_247 = vector.broadcast %broadcast_in_dim3A_246 : vector<1x2048xf32> to vector<1024x2048xf32>
    %add3A_248 = arith.addf %dot_general3A_243, %add3A_247 : vector<1024x2048xf32>
    %max3A = arith.constant 0.000000e+00 : f32
    %max3A_249 = vector.broadcast %max3A : f32 to vector<1024x2048xf32>
    %max3A_250 = arith.maximumf %add3A_248, %max3A_249 : vector<1024x2048xf32>
    %convert_element_type3A_251 = arith.truncf %max3A_250 : vector<1024x2048xf32> to vector<1024x2048xbf16>
    %get3A_252 = arith.constant 0 : index
    %get3A_253 = arith.constant 0 : index
    %get3A_254 = vector.load %arg13[%get3A_252, %get3A_253] : memref<2048x512xbf16, #tpu.memory_space<vmem>>, vector<2048x512xbf16>
    %dot_general3A_255 = arith.constant dense<0.000000e+00> : vector<1024x512xf32>
    %dot_general3A_256 = tpu.matmul %convert_element_type3A_251, %get3A_254, %dot_general3A_255 {dimension_numbers = #tpu.dot_dimension_numbers<[1], [0], [0], [1], [0, 0, 1, 1], [], []>, transpose_lhs_hint = false} : vector<1024x2048xbf16>, vector<2048x512xbf16>, vector<1024x512xf32> -> vector<1024x512xf32>
    %add3A_257 = arith.addf %add3A_204, %dot_general3A_256 : vector<1024x512xf32>
    %get3A_258 = arith.constant 0 : index
    %get3A_259 = vector.load %arg14[%get3A_258] : memref<512xf32, #tpu.memory_space<vmem>>, vector<512xf32>
    %broadcast_in_dim3A_260 = vector.shape_cast %get3A_259 : vector<512xf32> to vector<1x512xf32>
    %add3A_261 = vector.broadcast %broadcast_in_dim3A_260 : vector<1x512xf32> to vector<1024x512xf32>
    %add3A_262 = arith.addf %add3A_257, %add3A_261 : vector<1024x512xf32>
    %convert_element_type3A_263 = arith.truncf %add3A_262 : vector<1024x512xf32> to vector<1024x512xbf16>
    %swap3A = arith.constant 0 : index
    %swap3A_264 = arith.constant 0 : index
    %swap3A_265 = arith.constant 0 : index
    %swap3A_266 = vector.load %arg15[%swap3A, %swap3A_264, %swap3A_265] : memref<1x1024x512xbf16, #tpu.memory_space<vmem>>, vector<1x1024x512xbf16>
    %swap3A_267 = vector.shape_cast %swap3A_266 : vector<1x1024x512xbf16> to vector<1024x512xbf16>
    %swap3A_268 = vector.shape_cast %convert_element_type3A_263 : vector<1024x512xbf16> to vector<1x1024x512xbf16>
    tpu.vector_store %arg15[%swap3A, %swap3A_264, %swap3A_265], %swap3A_268 {strides = array<i32>} : memref<1x1024x512xbf16, #tpu.memory_space<vmem>>, vector<1x1024x512xbf16>,
    return
  }
  func.func @transform_0(%arg0: i32) -> (i32, i32, i32) {
    %c0_i32 = arith.constant 0 : i32
    %c0_i32_0 = arith.constant 0 : i32
    %c0_i32_1 = arith.constant 0 : i32
    return %arg0, %c0_i32, %c0_i32_0 : i32, i32, i32
  }
  func.func @transform_1(%arg0: i32) -> (i32, i32, i32) {
    %c0_i32 = arith.constant 0 : i32
    %c0_i32_0 = arith.constant 0 : i32
    %c0_i32_1 = arith.constant 0 : i32
    return %arg0, %c0_i32, %c0_i32_0 : i32, i32, i32
  }
  func.func @transform_2(%arg0: i32) -> (i32, i32) {
    %c0_i32 = arith.constant 0 : i32
    %c0_i32_0 = arith.constant 0 : i32
    %c0_i32_1 = arith.constant 0 : i32
    return %c0_i32, %c0_i32_0 : i32, i32
  }
  func.func @transform_3(%arg0: i32) -> (i32, i32) {
    %c0_i32 = arith.constant 0 : i32
    %c0_i32_0 = arith.constant 0 : i32
    %c0_i32_1 = arith.constant 0 : i32
    return %c0_i32, %c0_i32_0 : i32, i32
  }
  func.func @transform_4(%arg0: i32) -> (i32, i32) {
    %c0_i32 = arith.constant 0 : i32
    %c0_i32_0 = arith.constant 0 : i32
    %c0_i32_1 = arith.constant 0 : i32
    return %c0_i32, %c0_i32_0 : i32, i32
  }
  func.func @transform_5(%arg0: i32) -> (i32, i32) {
    %c0_i32 = arith.constant 0 : i32
    %c0_i32_0 = arith.constant 0 : i32
    %c0_i32_1 = arith.constant 0 : i32
    return %c0_i32, %c0_i32_0 : i32, i32
  }
  func.func @transform_6(%arg0: i32) -> i32 {
    %c0_i32 = arith.constant 0 : i32
    %c0_i32_0 = arith.constant 0 : i32
    return %c0_i32 : i32
  }
  func.func @transform_7(%arg0: i32) -> i32 {
    %c0_i32 = arith.constant 0 : i32
    %c0_i32_0 = arith.constant 0 : i32
    return %c0_i32 : i32
  }
  func.func @transform_8(%arg0: i32) -> i32 {
    %c0_i32 = arith.constant 0 : i32
    %c0_i32_0 = arith.constant 0 : i32
    return %c0_i32 : i32
  }
  func.func @transform_9(%arg0: i32) -> i32 {
    %c0_i32 = arith.constant 0 : i32
    %c0_i32_0 = arith.constant 0 : i32
    return %c0_i32 : i32
  }
  func.func @transform_10(%arg0: i32) -> (i32, i32) {
    %c0_i32 = arith.constant 0 : i32
    %c0_i32_0 = arith.constant 0 : i32
    %c0_i32_1 = arith.constant 0 : i32
    return %c0_i32, %c0_i32_0 : i32, i32
  }
  func.func @transform_11(%arg0: i32) -> i32 {
    %c0_i32 = arith.constant 0 : i32
    %c0_i32_0 = arith.constant 0 : i32
    return %c0_i32 : i32
  }
  func.func @transform_12(%arg0: i32) -> (i32, i32) {
    %c0_i32 = arith.constant 0 : i32
    %c0_i32_0 = arith.constant 0 : i32
    %c0_i32_1 = arith.constant 0 : i32
    return %c0_i32, %c0_i32_0 : i32, i32
  }
  func.func @transform_13(%arg0: i32) -> i32 {
    %c0_i32 = arith.constant 0 : i32
    %c0_i32_0 = arith.constant 0 : i32
    return %c0_i32 : i32
  }
  func.func @transform_14(%arg0: i32) -> (i32, i32, i32) {
    %c0_i32 = arith.constant 0 : i32
    %c0_i32_0 = arith.constant 0 : i32
    %c0_i32_1 = arith.constant 0 : i32
    return %arg0, %c0_i32, %c0_i32_0 : i32, i32, i32
  }
}

module attributes {stable_mosaic.version = 14 : i64} {
  func.func @_last_body(%arg0: i32, %arg1: memref<1x1024x512xbf16, #tpu.memory_space<vmem>>, %arg2: memref<1x1024x1xf32, #tpu.memory_space<vmem>>, %arg3: memref<1x1x1024xf32, #tpu.memory_space<vmem>>, %arg4: memref<512xf32, #tpu.memory_space<vmem>>, %arg5: memref<512xf32, #tpu.memory_space<vmem>>, %arg6: memref<512x512xbf16, #tpu.memory_space<vmem>>, %arg7: memref<512x512xbf16, #tpu.memory_space<vmem>>, %arg8: memref<512x512xbf16, #tpu.memory_space<vmem>>, %arg9: memref<512x512xbf16, #tpu.memory_space<vmem>>, %arg10: memref<512xf32, #tpu.memory_space<vmem>>, %arg11: memref<512xf32, #tpu.memory_space<vmem>>, %arg12: memref<512xf32, #tpu.memory_space<vmem>>, %arg13: memref<512xf32, #tpu.memory_space<vmem>>, %arg14: memref<512x2048xbf16, #tpu.memory_space<vmem>>, %arg15: memref<2048xf32, #tpu.memory_space<vmem>>, %arg16: memref<2048x512xbf16, #tpu.memory_space<vmem>>, %arg17: memref<512xf32, #tpu.memory_space<vmem>>, %arg18: memref<1x1x512xf32, #tpu.memory_space<vmem>>) attributes {dimension_semantics = [#tpu.dimension_semantics<arbitrary>], iteration_bounds = array<i64: 4>, scalar_prefetch = 0 : i64, scratch_operands = 0 : i64, tpu.core_type = #tpu.core_type<tc>, window_params = [{transform_indices = @transform_0, window_bounds = array<i64: 1, 1024, 512>}, {transform_indices = @transform_1, window_bounds = array<i64: 1, 1024, 1>}, {transform_indices = @transform_2, window_bounds = array<i64: 1, 1, 1024>}, {pipeline_mode = #tpu.pipeline_mode<synchronous>, transform_indices = @transform_3, window_bounds = array<i64: 512>}, {pipeline_mode = #tpu.pipeline_mode<synchronous>, transform_indices = @transform_4, window_bounds = array<i64: 512>}, {pipeline_mode = #tpu.pipeline_mode<synchronous>, transform_indices = @transform_5, window_bounds = array<i64: 512, 512>}, {pipeline_mode = #tpu.pipeline_mode<synchronous>, transform_indices = @transform_6, window_bounds = array<i64: 512, 512>}, {pipeline_mode = #tpu.pipeline_mode<synchronous>, transform_indices = @transform_7, window_bounds = array<i64: 512, 512>}, {pipeline_mode = #tpu.pipeline_mode<synchronous>, transform_indices = @transform_8, window_bounds = array<i64: 512, 512>}, {pipeline_mode = #tpu.pipeline_mode<synchronous>, transform_indices = @transform_9, window_bounds = array<i64: 512>}, {pipeline_mode = #tpu.pipeline_mode<synchronous>, transform_indices = @transform_10, window_bounds = array<i64: 512>}, {pipeline_mode = #tpu.pipeline_mode<synchronous>, transform_indices = @transform_11, window_bounds = array<i64: 512>}, {pipeline_mode = #tpu.pipeline_mode<synchronous>, transform_indices = @transform_12, window_bounds = array<i64: 512>}, {pipeline_mode = #tpu.pipeline_mode<synchronous>, transform_indices = @transform_13, window_bounds = array<i64: 512, 2048>}, {pipeline_mode = #tpu.pipeline_mode<synchronous>, transform_indices = @transform_14, window_bounds = array<i64: 2048>}, {pipeline_mode = #tpu.pipeline_mode<synchronous>, transform_indices = @transform_15, window_bounds = array<i64: 2048, 512>}, {pipeline_mode = #tpu.pipeline_mode<synchronous>, transform_indices = @transform_16, window_bounds = array<i64: 512>}, {transform_indices = @transform_17, window_bounds = array<i64: 1, 1, 512>}]} {
    %get3A = arith.constant 0 : index
    %get3A_0 = arith.constant 0 : index
    %get3A_1 = arith.constant 0 : index
    %get3A_2 = vector.load %arg1[%get3A, %get3A_0, %get3A_1] : memref<1x1024x512xbf16, #tpu.memory_space<vmem>>, vector<1x1024x512xbf16>
    %get3A_3 = vector.shape_cast %get3A_2 : vector<1x1024x512xbf16> to vector<1024x512xbf16>
    %convert_element_type3A = arith.extf %get3A_3 : vector<1024x512xbf16> to vector<1024x512xf32>
    %get3A_4 = arith.constant 0 : index
    %get3A_5 = arith.constant 0 : index
    %get3A_6 = arith.constant 0 : index
    %get3A_7 = vector.load %arg2[%get3A_4, %get3A_5, %get3A_6] : memref<1x1024x1xf32, #tpu.memory_space<vmem>>, vector<1x1024x1xf32>
    %get3A_8 = vector.shape_cast %get3A_7 : vector<1x1024x1xf32> to vector<1024x1xf32>
    %get3A_9 = arith.constant 0 : index
    %get3A_10 = arith.constant 0 : index
    %get3A_11 = arith.constant 0 : index
    %get3A_12 = vector.load %arg3[%get3A_9, %get3A_10, %get3A_11] : memref<1x1x1024xf32, #tpu.memory_space<vmem>>, vector<1x1x1024xf32>
    %get3A_13 = vector.shape_cast %get3A_12 : vector<1x1x1024xf32> to vector<1x1024xf32>
    %get3A_14 = arith.constant 0 : index
    %get3A_15 = vector.load %arg10[%get3A_14] : memref<512xf32, #tpu.memory_space<vmem>>, vector<512xf32>
    %get3A_16 = arith.constant 0 : index
    %get3A_17 = vector.load %arg11[%get3A_16] : memref<512xf32, #tpu.memory_space<vmem>>, vector<512xf32>
    %reduce_sum3A = arith.constant dense<0.000000e+00> : vector<1024xf32>
    %reduce_sum3A_18 = vector.multi_reduction <add>, %convert_element_type3A, %reduce_sum3A [1] : vector<1024x512xf32> to vector<1024xf32>
    %broadcast_in_dim3A = vector.shape_cast %reduce_sum3A_18 : vector<1024xf32> to vector<1024x1xf32>
    %div3A = arith.constant 5.120000e+02 : f32
    %div3A_19 = vector.broadcast %div3A : f32 to vector<1024x1xf32>
    %div3A_20 = arith.divf %broadcast_in_dim3A, %div3A_19 : vector<1024x1xf32>
    %sub3A = vector.broadcast %div3A_20 : vector<1024x1xf32> to vector<1024x512xf32>
    %sub3A_21 = arith.subf %convert_element_type3A, %sub3A : vector<1024x512xf32>
    %integer_pow3A = arith.mulf %sub3A_21, %sub3A_21 : vector<1024x512xf32>
    %reduce_sum3A_22 = arith.constant dense<0.000000e+00> : vector<1024xf32>
    %reduce_sum3A_23 = vector.multi_reduction <add>, %integer_pow3A, %reduce_sum3A_22 [1] : vector<1024x512xf32> to vector<1024xf32>
    %broadcast_in_dim3A_24 = vector.shape_cast %reduce_sum3A_23 : vector<1024xf32> to vector<1024x1xf32>
    %div3A_25 = arith.constant 5.120000e+02 : f32
    %div3A_26 = vector.broadcast %div3A_25 : f32 to vector<1024x1xf32>
    %div3A_27 = arith.divf %broadcast_in_dim3A_24, %div3A_26 : vector<1024x1xf32>
    %sub3A_28 = vector.broadcast %div3A_20 : vector<1024x1xf32> to vector<1024x512xf32>
    %sub3A_29 = arith.subf %convert_element_type3A, %sub3A_28 : vector<1024x512xf32>
    %add3A = arith.constant 9.99999974E-6 : f32
    %add3A_30 = vector.broadcast %add3A : f32 to vector<1024x1xf32>
    %add3A_31 = arith.addf %div3A_27, %add3A_30 : vector<1024x1xf32>
    %rsqrt3A = math.rsqrt %add3A_31 : vector<1024x1xf32>
    %mul3A = vector.broadcast %rsqrt3A : vector<1024x1xf32> to vector<1024x512xf32>
    %mul3A_32 = arith.mulf %sub3A_29, %mul3A : vector<1024x512xf32>
    %broadcast_in_dim3A_33 = vector.shape_cast %get3A_15 : vector<512xf32> to vector<1x512xf32>
    %mul3A_34 = vector.broadcast %broadcast_in_dim3A_33 : vector<1x512xf32> to vector<1024x512xf32>
    %mul3A_35 = arith.mulf %mul3A_32, %mul3A_34 : vector<1024x512xf32>
    %broadcast_in_dim3A_36 = vector.shape_cast %get3A_17 : vector<512xf32> to vector<1x512xf32>
    %add3A_37 = vector.broadcast %broadcast_in_dim3A_36 : vector<1x512xf32> to vector<1024x512xf32>
    %add3A_38 = arith.addf %mul3A_35, %add3A_37 : vector<1024x512xf32>
    %convert_element_type3A_39 = arith.truncf %add3A_38 : vector<1024x512xf32> to vector<1024x512xbf16>
    %get3A_40 = arith.constant 0 : index
    %get3A_41 = arith.constant 0 : index
    %get3A_42 = vector.load %arg6[%get3A_40, %get3A_41] : memref<512x512xbf16, #tpu.memory_space<vmem>>, vector<512x512xbf16>
    %dot_general3A = arith.constant dense<0.000000e+00> : vector<1024x512xf32>
    %dot_general3A_43 = tpu.matmul %convert_element_type3A_39, %get3A_42, %dot_general3A {dimension_numbers = #tpu.dot_dimension_numbers<[1], [0], [0], [1], [0, 0, 1, 1], [], []>, transpose_lhs_hint = false} : vector<1024x512xbf16>, vector<512x512xbf16>, vector<1024x512xf32> -> vector<1024x512xf32>
    %get3A_44 = arith.constant 0 : index
    %get3A_45 = arith.constant 0 : index
    %get3A_46 = vector.load %arg7[%get3A_44, %get3A_45] : memref<512x512xbf16, #tpu.memory_space<vmem>>, vector<512x512xbf16>
    %dot_general3A_47 = arith.constant dense<0.000000e+00> : vector<1024x512xf32>
    %dot_general3A_48 = tpu.matmul %convert_element_type3A_39, %get3A_46, %dot_general3A_47 {dimension_numbers = #tpu.dot_dimension_numbers<[1], [0], [0], [1], [0, 0, 1, 1], [], []>, transpose_lhs_hint = false} : vector<1024x512xbf16>, vector<512x512xbf16>, vector<1024x512xf32> -> vector<1024x512xf32>
    %get3A_49 = arith.constant 0 : index
    %get3A_50 = arith.constant 0 : index
    %get3A_51 = vector.load %arg8[%get3A_49, %get3A_50] : memref<512x512xbf16, #tpu.memory_space<vmem>>, vector<512x512xbf16>
    %dot_general3A_52 = arith.constant dense<0.000000e+00> : vector<1024x512xf32>
    %dot_general3A_53 = tpu.matmul %convert_element_type3A_39, %get3A_51, %dot_general3A_52 {dimension_numbers = #tpu.dot_dimension_numbers<[1], [0], [0], [1], [0, 0, 1, 1], [], []>, transpose_lhs_hint = false} : vector<1024x512xbf16>, vector<512x512xbf16>, vector<1024x512xf32> -> vector<1024x512xf32>
    %mul3A_54 = vector.broadcast %get3A_8 : vector<1024x1xf32> to vector<1024x512xf32>
    %mul3A_55 = arith.mulf %dot_general3A_53, %mul3A_54 : vector<1024x512xf32>
    %mul3A_56 = arith.constant 1.250000e-01 : f32
    %mul3A_57 = vector.broadcast %mul3A_56 : f32 to vector<1024x512xf32>
    %mul3A_58 = arith.mulf %dot_general3A_43, %mul3A_57 : vector<1024x512xf32>
    %convert_element_type3A_59 = arith.truncf %mul3A_58 : vector<1024x512xf32> to vector<1024x512xbf16>
    %convert_element_type3A_60 = arith.truncf %dot_general3A_48 : vector<1024x512xf32> to vector<1024x512xbf16>
    %slice3A = vector.extract_strided_slice %convert_element_type3A_59 {offsets = [0, 0], sizes = [1024, 64], strides = [1, 1]} : vector<1024x512xbf16> to vector<1024x64xbf16>
    %slice3A_61 = vector.extract_strided_slice %convert_element_type3A_60 {offsets = [0, 0], sizes = [1024, 64], strides = [1, 1]} : vector<1024x512xbf16> to vector<1024x64xbf16>
    %dot_general3A_62 = arith.constant dense<0.000000e+00> : vector<1024x1024xf32>
    %dot_general3A_63 = tpu.matmul %slice3A, %slice3A_61, %dot_general3A_62 {dimension_numbers = #tpu.dot_dimension_numbers<[1], [1], [0], [0], [0, 0, 1, 0], [], []>, transpose_lhs_hint = false} : vector<1024x64xbf16>, vector<1024x64xbf16>, vector<1024x1024xf32> -> vector<1024x1024xf32>
    %exp3A = math.exp %dot_general3A_63 : vector<1024x1024xf32>
    %convert_element_type3A_64 = arith.truncf %exp3A : vector<1024x1024xf32> to vector<1024x1024xbf16>
    %slice3A_65 = vector.extract_strided_slice %mul3A_55 {offsets = [0, 0], sizes = [1024, 64], strides = [1, 1]} : vector<1024x512xf32> to vector<1024x64xf32>
    %concatenate3A = tpu.concatenate %slice3A_65, %get3A_8 in 1 : vector<1024x64xf32>, vector<1024x1xf32> -> vector<1024x65xf32>
    %convert_element_type3A_66 = arith.truncf %concatenate3A : vector<1024x65xf32> to vector<1024x65xbf16>
    %dot_general3A_67 = arith.constant dense<0.000000e+00> : vector<1024x65xf32>
    %dot_general3A_68 = tpu.matmul %convert_element_type3A_64, %convert_element_type3A_66, %dot_general3A_67 {dimension_numbers = #tpu.dot_dimension_numbers<[1], [0], [0], [1], [0, 0, 1, 1], [], []>, transpose_lhs_hint = false} : vector<1024x1024xbf16>, vector<1024x65xbf16>, vector<1024x65xf32> -> vector<1024x65xf32>
    %slice3A_69 = vector.extract_strided_slice %dot_general3A_68 {offsets = [0, 0], sizes = [1024, 64], strides = [1, 1]} : vector<1024x65xf32> to vector<1024x64xf32>
    %slice3A_70 = vector.extract_strided_slice %dot_general3A_68 {offsets = [0, 64], sizes = [1024, 1], strides = [1, 1]} : vector<1024x65xf32> to vector<1024x1xf32>
    %div3A_71 = arith.constant 1.000000e+00 : f32
    %div3A_72 = vector.broadcast %div3A_71 : f32 to vector<1024x1xf32>
    %div3A_73 = arith.divf %div3A_72, %slice3A_70 : vector<1024x1xf32>
    %mul3A_74 = vector.broadcast %div3A_73 : vector<1024x1xf32> to vector<1024x64xf32>
    %mul3A_75 = arith.mulf %slice3A_69, %mul3A_74 : vector<1024x64xf32>
    %slice3A_76 = vector.extract_strided_slice %convert_element_type3A_59 {offsets = [0, 64], sizes = [1024, 64], strides = [1, 1]} : vector<1024x512xbf16> to vector<1024x64xbf16>
    %slice3A_77 = vector.extract_strided_slice %convert_element_type3A_60 {offsets = [0, 64], sizes = [1024, 64], strides = [1, 1]} : vector<1024x512xbf16> to vector<1024x64xbf16>
    %dot_general3A_78 = arith.constant dense<0.000000e+00> : vector<1024x1024xf32>
    %dot_general3A_79 = tpu.matmul %slice3A_76, %slice3A_77, %dot_general3A_78 {dimension_numbers = #tpu.dot_dimension_numbers<[1], [1], [0], [0], [0, 0, 1, 0], [], []>, transpose_lhs_hint = false} : vector<1024x64xbf16>, vector<1024x64xbf16>, vector<1024x1024xf32> -> vector<1024x1024xf32>
    %exp3A_80 = math.exp %dot_general3A_79 : vector<1024x1024xf32>
    %convert_element_type3A_81 = arith.truncf %exp3A_80 : vector<1024x1024xf32> to vector<1024x1024xbf16>
    %slice3A_82 = vector.extract_strided_slice %mul3A_55 {offsets = [0, 64], sizes = [1024, 64], strides = [1, 1]} : vector<1024x512xf32> to vector<1024x64xf32>
    %concatenate3A_83 = tpu.concatenate %slice3A_82, %get3A_8 in 1 : vector<1024x64xf32>, vector<1024x1xf32> -> vector<1024x65xf32>
    %convert_element_type3A_84 = arith.truncf %concatenate3A_83 : vector<1024x65xf32> to vector<1024x65xbf16>
    %dot_general3A_85 = arith.constant dense<0.000000e+00> : vector<1024x65xf32>
    %dot_general3A_86 = tpu.matmul %convert_element_type3A_81, %convert_element_type3A_84, %dot_general3A_85 {dimension_numbers = #tpu.dot_dimension_numbers<[1], [0], [0], [1], [0, 0, 1, 1], [], []>, transpose_lhs_hint = false} : vector<1024x1024xbf16>, vector<1024x65xbf16>, vector<1024x65xf32> -> vector<1024x65xf32>
    %slice3A_87 = vector.extract_strided_slice %dot_general3A_86 {offsets = [0, 0], sizes = [1024, 64], strides = [1, 1]} : vector<1024x65xf32> to vector<1024x64xf32>
    %slice3A_88 = vector.extract_strided_slice %dot_general3A_86 {offsets = [0, 64], sizes = [1024, 1], strides = [1, 1]} : vector<1024x65xf32> to vector<1024x1xf32>
    %div3A_89 = arith.constant 1.000000e+00 : f32
    %div3A_90 = vector.broadcast %div3A_89 : f32 to vector<1024x1xf32>
    %div3A_91 = arith.divf %div3A_90, %slice3A_88 : vector<1024x1xf32>
    %mul3A_92 = vector.broadcast %div3A_91 : vector<1024x1xf32> to vector<1024x64xf32>
    %mul3A_93 = arith.mulf %slice3A_87, %mul3A_92 : vector<1024x64xf32>
    %slice3A_94 = vector.extract_strided_slice %convert_element_type3A_59 {offsets = [0, 128], sizes = [1024, 64], strides = [1, 1]} : vector<1024x512xbf16> to vector<1024x64xbf16>
    %slice3A_95 = vector.extract_strided_slice %convert_element_type3A_60 {offsets = [0, 128], sizes = [1024, 64], strides = [1, 1]} : vector<1024x512xbf16> to vector<1024x64xbf16>
    %dot_general3A_96 = arith.constant dense<0.000000e+00> : vector<1024x1024xf32>
    %dot_general3A_97 = tpu.matmul %slice3A_94, %slice3A_95, %dot_general3A_96 {dimension_numbers = #tpu.dot_dimension_numbers<[1], [1], [0], [0], [0, 0, 1, 0], [], []>, transpose_lhs_hint = false} : vector<1024x64xbf16>, vector<1024x64xbf16>, vector<1024x1024xf32> -> vector<1024x1024xf32>
    %exp3A_98 = math.exp %dot_general3A_97 : vector<1024x1024xf32>
    %convert_element_type3A_99 = arith.truncf %exp3A_98 : vector<1024x1024xf32> to vector<1024x1024xbf16>
    %slice3A_100 = vector.extract_strided_slice %mul3A_55 {offsets = [0, 128], sizes = [1024, 64], strides = [1, 1]} : vector<1024x512xf32> to vector<1024x64xf32>
    %concatenate3A_101 = tpu.concatenate %slice3A_100, %get3A_8 in 1 : vector<1024x64xf32>, vector<1024x1xf32> -> vector<1024x65xf32>
    %convert_element_type3A_102 = arith.truncf %concatenate3A_101 : vector<1024x65xf32> to vector<1024x65xbf16>
    %dot_general3A_103 = arith.constant dense<0.000000e+00> : vector<1024x65xf32>
    %dot_general3A_104 = tpu.matmul %convert_element_type3A_99, %convert_element_type3A_102, %dot_general3A_103 {dimension_numbers = #tpu.dot_dimension_numbers<[1], [0], [0], [1], [0, 0, 1, 1], [], []>, transpose_lhs_hint = false} : vector<1024x1024xbf16>, vector<1024x65xbf16>, vector<1024x65xf32> -> vector<1024x65xf32>
    %slice3A_105 = vector.extract_strided_slice %dot_general3A_104 {offsets = [0, 0], sizes = [1024, 64], strides = [1, 1]} : vector<1024x65xf32> to vector<1024x64xf32>
    %slice3A_106 = vector.extract_strided_slice %dot_general3A_104 {offsets = [0, 64], sizes = [1024, 1], strides = [1, 1]} : vector<1024x65xf32> to vector<1024x1xf32>
    %div3A_107 = arith.constant 1.000000e+00 : f32
    %div3A_108 = vector.broadcast %div3A_107 : f32 to vector<1024x1xf32>
    %div3A_109 = arith.divf %div3A_108, %slice3A_106 : vector<1024x1xf32>
    %mul3A_110 = vector.broadcast %div3A_109 : vector<1024x1xf32> to vector<1024x64xf32>
    %mul3A_111 = arith.mulf %slice3A_105, %mul3A_110 : vector<1024x64xf32>
    %slice3A_112 = vector.extract_strided_slice %convert_element_type3A_59 {offsets = [0, 192], sizes = [1024, 64], strides = [1, 1]} : vector<1024x512xbf16> to vector<1024x64xbf16>
    %slice3A_113 = vector.extract_strided_slice %convert_element_type3A_60 {offsets = [0, 192], sizes = [1024, 64], strides = [1, 1]} : vector<1024x512xbf16> to vector<1024x64xbf16>
    %dot_general3A_114 = arith.constant dense<0.000000e+00> : vector<1024x1024xf32>
    %dot_general3A_115 = tpu.matmul %slice3A_112, %slice3A_113, %dot_general3A_114 {dimension_numbers = #tpu.dot_dimension_numbers<[1], [1], [0], [0], [0, 0, 1, 0], [], []>, transpose_lhs_hint = false} : vector<1024x64xbf16>, vector<1024x64xbf16>, vector<1024x1024xf32> -> vector<1024x1024xf32>
    %exp3A_116 = math.exp %dot_general3A_115 : vector<1024x1024xf32>
    %convert_element_type3A_117 = arith.truncf %exp3A_116 : vector<1024x1024xf32> to vector<1024x1024xbf16>
    %slice3A_118 = vector.extract_strided_slice %mul3A_55 {offsets = [0, 192], sizes = [1024, 64], strides = [1, 1]} : vector<1024x512xf32> to vector<1024x64xf32>
    %concatenate3A_119 = tpu.concatenate %slice3A_118, %get3A_8 in 1 : vector<1024x64xf32>, vector<1024x1xf32> -> vector<1024x65xf32>
    %convert_element_type3A_120 = arith.truncf %concatenate3A_119 : vector<1024x65xf32> to vector<1024x65xbf16>
    %dot_general3A_121 = arith.constant dense<0.000000e+00> : vector<1024x65xf32>
    %dot_general3A_122 = tpu.matmul %convert_element_type3A_117, %convert_element_type3A_120, %dot_general3A_121 {dimension_numbers = #tpu.dot_dimension_numbers<[1], [0], [0], [1], [0, 0, 1, 1], [], []>, transpose_lhs_hint = false} : vector<1024x1024xbf16>, vector<1024x65xbf16>, vector<1024x65xf32> -> vector<1024x65xf32>
    %slice3A_123 = vector.extract_strided_slice %dot_general3A_122 {offsets = [0, 0], sizes = [1024, 64], strides = [1, 1]} : vector<1024x65xf32> to vector<1024x64xf32>
    %slice3A_124 = vector.extract_strided_slice %dot_general3A_122 {offsets = [0, 64], sizes = [1024, 1], strides = [1, 1]} : vector<1024x65xf32> to vector<1024x1xf32>
    %div3A_125 = arith.constant 1.000000e+00 : f32
    %div3A_126 = vector.broadcast %div3A_125 : f32 to vector<1024x1xf32>
    %div3A_127 = arith.divf %div3A_126, %slice3A_124 : vector<1024x1xf32>
    %mul3A_128 = vector.broadcast %div3A_127 : vector<1024x1xf32> to vector<1024x64xf32>
    %mul3A_129 = arith.mulf %slice3A_123, %mul3A_128 : vector<1024x64xf32>
    %slice3A_130 = vector.extract_strided_slice %convert_element_type3A_59 {offsets = [0, 256], sizes = [1024, 64], strides = [1, 1]} : vector<1024x512xbf16> to vector<1024x64xbf16>
    %slice3A_131 = vector.extract_strided_slice %convert_element_type3A_60 {offsets = [0, 256], sizes = [1024, 64], strides = [1, 1]} : vector<1024x512xbf16> to vector<1024x64xbf16>
    %dot_general3A_132 = arith.constant dense<0.000000e+00> : vector<1024x1024xf32>
    %dot_general3A_133 = tpu.matmul %slice3A_130, %slice3A_131, %dot_general3A_132 {dimension_numbers = #tpu.dot_dimension_numbers<[1], [1], [0], [0], [0, 0, 1, 0], [], []>, transpose_lhs_hint = false} : vector<1024x64xbf16>, vector<1024x64xbf16>, vector<1024x1024xf32> -> vector<1024x1024xf32>
    %exp3A_134 = math.exp %dot_general3A_133 : vector<1024x1024xf32>
    %convert_element_type3A_135 = arith.truncf %exp3A_134 : vector<1024x1024xf32> to vector<1024x1024xbf16>
    %slice3A_136 = vector.extract_strided_slice %mul3A_55 {offsets = [0, 256], sizes = [1024, 64], strides = [1, 1]} : vector<1024x512xf32> to vector<1024x64xf32>
    %concatenate3A_137 = tpu.concatenate %slice3A_136, %get3A_8 in 1 : vector<1024x64xf32>, vector<1024x1xf32> -> vector<1024x65xf32>
    %convert_element_type3A_138 = arith.truncf %concatenate3A_137 : vector<1024x65xf32> to vector<1024x65xbf16>
    %dot_general3A_139 = arith.constant dense<0.000000e+00> : vector<1024x65xf32>
    %dot_general3A_140 = tpu.matmul %convert_element_type3A_135, %convert_element_type3A_138, %dot_general3A_139 {dimension_numbers = #tpu.dot_dimension_numbers<[1], [0], [0], [1], [0, 0, 1, 1], [], []>, transpose_lhs_hint = false} : vector<1024x1024xbf16>, vector<1024x65xbf16>, vector<1024x65xf32> -> vector<1024x65xf32>
    %slice3A_141 = vector.extract_strided_slice %dot_general3A_140 {offsets = [0, 0], sizes = [1024, 64], strides = [1, 1]} : vector<1024x65xf32> to vector<1024x64xf32>
    %slice3A_142 = vector.extract_strided_slice %dot_general3A_140 {offsets = [0, 64], sizes = [1024, 1], strides = [1, 1]} : vector<1024x65xf32> to vector<1024x1xf32>
    %div3A_143 = arith.constant 1.000000e+00 : f32
    %div3A_144 = vector.broadcast %div3A_143 : f32 to vector<1024x1xf32>
    %div3A_145 = arith.divf %div3A_144, %slice3A_142 : vector<1024x1xf32>
    %mul3A_146 = vector.broadcast %div3A_145 : vector<1024x1xf32> to vector<1024x64xf32>
    %mul3A_147 = arith.mulf %slice3A_141, %mul3A_146 : vector<1024x64xf32>
    %slice3A_148 = vector.extract_strided_slice %convert_element_type3A_59 {offsets = [0, 320], sizes = [1024, 64], strides = [1, 1]} : vector<1024x512xbf16> to vector<1024x64xbf16>
    %slice3A_149 = vector.extract_strided_slice %convert_element_type3A_60 {offsets = [0, 320], sizes = [1024, 64], strides = [1, 1]} : vector<1024x512xbf16> to vector<1024x64xbf16>
    %dot_general3A_150 = arith.constant dense<0.000000e+00> : vector<1024x1024xf32>
    %dot_general3A_151 = tpu.matmul %slice3A_148, %slice3A_149, %dot_general3A_150 {dimension_numbers = #tpu.dot_dimension_numbers<[1], [1], [0], [0], [0, 0, 1, 0], [], []>, transpose_lhs_hint = false} : vector<1024x64xbf16>, vector<1024x64xbf16>, vector<1024x1024xf32> -> vector<1024x1024xf32>
    %exp3A_152 = math.exp %dot_general3A_151 : vector<1024x1024xf32>
    %convert_element_type3A_153 = arith.truncf %exp3A_152 : vector<1024x1024xf32> to vector<1024x1024xbf16>
    %slice3A_154 = vector.extract_strided_slice %mul3A_55 {offsets = [0, 320], sizes = [1024, 64], strides = [1, 1]} : vector<1024x512xf32> to vector<1024x64xf32>
    %concatenate3A_155 = tpu.concatenate %slice3A_154, %get3A_8 in 1 : vector<1024x64xf32>, vector<1024x1xf32> -> vector<1024x65xf32>
    %convert_element_type3A_156 = arith.truncf %concatenate3A_155 : vector<1024x65xf32> to vector<1024x65xbf16>
    %dot_general3A_157 = arith.constant dense<0.000000e+00> : vector<1024x65xf32>
    %dot_general3A_158 = tpu.matmul %convert_element_type3A_153, %convert_element_type3A_156, %dot_general3A_157 {dimension_numbers = #tpu.dot_dimension_numbers<[1], [0], [0], [1], [0, 0, 1, 1], [], []>, transpose_lhs_hint = false} : vector<1024x1024xbf16>, vector<1024x65xbf16>, vector<1024x65xf32> -> vector<1024x65xf32>
    %slice3A_159 = vector.extract_strided_slice %dot_general3A_158 {offsets = [0, 0], sizes = [1024, 64], strides = [1, 1]} : vector<1024x65xf32> to vector<1024x64xf32>
    %slice3A_160 = vector.extract_strided_slice %dot_general3A_158 {offsets = [0, 64], sizes = [1024, 1], strides = [1, 1]} : vector<1024x65xf32> to vector<1024x1xf32>
    %div3A_161 = arith.constant 1.000000e+00 : f32
    %div3A_162 = vector.broadcast %div3A_161 : f32 to vector<1024x1xf32>
    %div3A_163 = arith.divf %div3A_162, %slice3A_160 : vector<1024x1xf32>
    %mul3A_164 = vector.broadcast %div3A_163 : vector<1024x1xf32> to vector<1024x64xf32>
    %mul3A_165 = arith.mulf %slice3A_159, %mul3A_164 : vector<1024x64xf32>
    %slice3A_166 = vector.extract_strided_slice %convert_element_type3A_59 {offsets = [0, 384], sizes = [1024, 64], strides = [1, 1]} : vector<1024x512xbf16> to vector<1024x64xbf16>
    %slice3A_167 = vector.extract_strided_slice %convert_element_type3A_60 {offsets = [0, 384], sizes = [1024, 64], strides = [1, 1]} : vector<1024x512xbf16> to vector<1024x64xbf16>
    %dot_general3A_168 = arith.constant dense<0.000000e+00> : vector<1024x1024xf32>
    %dot_general3A_169 = tpu.matmul %slice3A_166, %slice3A_167, %dot_general3A_168 {dimension_numbers = #tpu.dot_dimension_numbers<[1], [1], [0], [0], [0, 0, 1, 0], [], []>, transpose_lhs_hint = false} : vector<1024x64xbf16>, vector<1024x64xbf16>, vector<1024x1024xf32> -> vector<1024x1024xf32>
    %exp3A_170 = math.exp %dot_general3A_169 : vector<1024x1024xf32>
    %convert_element_type3A_171 = arith.truncf %exp3A_170 : vector<1024x1024xf32> to vector<1024x1024xbf16>
    %slice3A_172 = vector.extract_strided_slice %mul3A_55 {offsets = [0, 384], sizes = [1024, 64], strides = [1, 1]} : vector<1024x512xf32> to vector<1024x64xf32>
    %concatenate3A_173 = tpu.concatenate %slice3A_172, %get3A_8 in 1 : vector<1024x64xf32>, vector<1024x1xf32> -> vector<1024x65xf32>
    %convert_element_type3A_174 = arith.truncf %concatenate3A_173 : vector<1024x65xf32> to vector<1024x65xbf16>
    %dot_general3A_175 = arith.constant dense<0.000000e+00> : vector<1024x65xf32>
    %dot_general3A_176 = tpu.matmul %convert_element_type3A_171, %convert_element_type3A_174, %dot_general3A_175 {dimension_numbers = #tpu.dot_dimension_numbers<[1], [0], [0], [1], [0, 0, 1, 1], [], []>, transpose_lhs_hint = false} : vector<1024x1024xbf16>, vector<1024x65xbf16>, vector<1024x65xf32> -> vector<1024x65xf32>
    %slice3A_177 = vector.extract_strided_slice %dot_general3A_176 {offsets = [0, 0], sizes = [1024, 64], strides = [1, 1]} : vector<1024x65xf32> to vector<1024x64xf32>
    %slice3A_178 = vector.extract_strided_slice %dot_general3A_176 {offsets = [0, 64], sizes = [1024, 1], strides = [1, 1]} : vector<1024x65xf32> to vector<1024x1xf32>
    %div3A_179 = arith.constant 1.000000e+00 : f32
    %div3A_180 = vector.broadcast %div3A_179 : f32 to vector<1024x1xf32>
    %div3A_181 = arith.divf %div3A_180, %slice3A_178 : vector<1024x1xf32>
    %mul3A_182 = vector.broadcast %div3A_181 : vector<1024x1xf32> to vector<1024x64xf32>
    %mul3A_183 = arith.mulf %slice3A_177, %mul3A_182 : vector<1024x64xf32>
    %slice3A_184 = vector.extract_strided_slice %convert_element_type3A_59 {offsets = [0, 448], sizes = [1024, 64], strides = [1, 1]} : vector<1024x512xbf16> to vector<1024x64xbf16>
    %slice3A_185 = vector.extract_strided_slice %convert_element_type3A_60 {offsets = [0, 448], sizes = [1024, 64], strides = [1, 1]} : vector<1024x512xbf16> to vector<1024x64xbf16>
    %dot_general3A_186 = arith.constant dense<0.000000e+00> : vector<1024x1024xf32>
    %dot_general3A_187 = tpu.matmul %slice3A_184, %slice3A_185, %dot_general3A_186 {dimension_numbers = #tpu.dot_dimension_numbers<[1], [1], [0], [0], [0, 0, 1, 0], [], []>, transpose_lhs_hint = false} : vector<1024x64xbf16>, vector<1024x64xbf16>, vector<1024x1024xf32> -> vector<1024x1024xf32>
    %exp3A_188 = math.exp %dot_general3A_187 : vector<1024x1024xf32>
    %convert_element_type3A_189 = arith.truncf %exp3A_188 : vector<1024x1024xf32> to vector<1024x1024xbf16>
    %slice3A_190 = vector.extract_strided_slice %mul3A_55 {offsets = [0, 448], sizes = [1024, 64], strides = [1, 1]} : vector<1024x512xf32> to vector<1024x64xf32>
    %concatenate3A_191 = tpu.concatenate %slice3A_190, %get3A_8 in 1 : vector<1024x64xf32>, vector<1024x1xf32> -> vector<1024x65xf32>
    %convert_element_type3A_192 = arith.truncf %concatenate3A_191 : vector<1024x65xf32> to vector<1024x65xbf16>
    %dot_general3A_193 = arith.constant dense<0.000000e+00> : vector<1024x65xf32>
    %dot_general3A_194 = tpu.matmul %convert_element_type3A_189, %convert_element_type3A_192, %dot_general3A_193 {dimension_numbers = #tpu.dot_dimension_numbers<[1], [0], [0], [1], [0, 0, 1, 1], [], []>, transpose_lhs_hint = false} : vector<1024x1024xbf16>, vector<1024x65xbf16>, vector<1024x65xf32> -> vector<1024x65xf32>
    %slice3A_195 = vector.extract_strided_slice %dot_general3A_194 {offsets = [0, 0], sizes = [1024, 64], strides = [1, 1]} : vector<1024x65xf32> to vector<1024x64xf32>
    %slice3A_196 = vector.extract_strided_slice %dot_general3A_194 {offsets = [0, 64], sizes = [1024, 1], strides = [1, 1]} : vector<1024x65xf32> to vector<1024x1xf32>
    %div3A_197 = arith.constant 1.000000e+00 : f32
    %div3A_198 = vector.broadcast %div3A_197 : f32 to vector<1024x1xf32>
    %div3A_199 = arith.divf %div3A_198, %slice3A_196 : vector<1024x1xf32>
    %mul3A_200 = vector.broadcast %div3A_199 : vector<1024x1xf32> to vector<1024x64xf32>
    %mul3A_201 = arith.mulf %slice3A_195, %mul3A_200 : vector<1024x64xf32>
    %concatenate3A_202 = tpu.concatenate %mul3A_75, %mul3A_93, %mul3A_111, %mul3A_129, %mul3A_147, %mul3A_165, %mul3A_183, %mul3A_201 in 1 : vector<1024x64xf32>, vector<1024x64xf32>, vector<1024x64xf32>, vector<1024x64xf32>, vector<1024x64xf32>, vector<1024x64xf32>, vector<1024x64xf32>, vector<1024x64xf32> -> vector<1024x512xf32>
    %convert_element_type3A_203 = arith.truncf %concatenate3A_202 : vector<1024x512xf32> to vector<1024x512xbf16>
    %get3A_204 = arith.constant 0 : index
    %get3A_205 = arith.constant 0 : index
    %get3A_206 = vector.load %arg9[%get3A_204, %get3A_205] : memref<512x512xbf16, #tpu.memory_space<vmem>>, vector<512x512xbf16>
    %dot_general3A_207 = arith.constant dense<0.000000e+00> : vector<1024x512xf32>
    %dot_general3A_208 = tpu.matmul %convert_element_type3A_203, %get3A_206, %dot_general3A_207 {dimension_numbers = #tpu.dot_dimension_numbers<[1], [0], [0], [1], [0, 0, 1, 1], [], []>, transpose_lhs_hint = false} : vector<1024x512xbf16>, vector<512x512xbf16>, vector<1024x512xf32> -> vector<1024x512xf32>
    %add3A_209 = arith.addf %convert_element_type3A, %dot_general3A_208 : vector<1024x512xf32>
    %get3A_210 = arith.constant 0 : index
    %get3A_211 = vector.load %arg12[%get3A_210] : memref<512xf32, #tpu.memory_space<vmem>>, vector<512xf32>
    %get3A_212 = arith.constant 0 : index
    %get3A_213 = vector.load %arg13[%get3A_212] : memref<512xf32, #tpu.memory_space<vmem>>, vector<512xf32>
    %reduce_sum3A_214 = arith.constant dense<0.000000e+00> : vector<1024xf32>
    %reduce_sum3A_215 = vector.multi_reduction <add>, %add3A_209, %reduce_sum3A_214 [1] : vector<1024x512xf32> to vector<1024xf32>
    %broadcast_in_dim3A_216 = vector.shape_cast %reduce_sum3A_215 : vector<1024xf32> to vector<1024x1xf32>
    %div3A_217 = arith.constant 5.120000e+02 : f32
    %div3A_218 = vector.broadcast %div3A_217 : f32 to vector<1024x1xf32>
    %div3A_219 = arith.divf %broadcast_in_dim3A_216, %div3A_218 : vector<1024x1xf32>
    %sub3A_220 = vector.broadcast %div3A_219 : vector<1024x1xf32> to vector<1024x512xf32>
    %sub3A_221 = arith.subf %add3A_209, %sub3A_220 : vector<1024x512xf32>
    %integer_pow3A_222 = arith.mulf %sub3A_221, %sub3A_221 : vector<1024x512xf32>
    %reduce_sum3A_223 = arith.constant dense<0.000000e+00> : vector<1024xf32>
    %reduce_sum3A_224 = vector.multi_reduction <add>, %integer_pow3A_222, %reduce_sum3A_223 [1] : vector<1024x512xf32> to vector<1024xf32>
    %broadcast_in_dim3A_225 = vector.shape_cast %reduce_sum3A_224 : vector<1024xf32> to vector<1024x1xf32>
    %div3A_226 = arith.constant 5.120000e+02 : f32
    %div3A_227 = vector.broadcast %div3A_226 : f32 to vector<1024x1xf32>
    %div3A_228 = arith.divf %broadcast_in_dim3A_225, %div3A_227 : vector<1024x1xf32>
    %sub3A_229 = vector.broadcast %div3A_219 : vector<1024x1xf32> to vector<1024x512xf32>
    %sub3A_230 = arith.subf %add3A_209, %sub3A_229 : vector<1024x512xf32>
    %add3A_231 = arith.constant 9.99999974E-6 : f32
    %add3A_232 = vector.broadcast %add3A_231 : f32 to vector<1024x1xf32>
    %add3A_233 = arith.addf %div3A_228, %add3A_232 : vector<1024x1xf32>
    %rsqrt3A_234 = math.rsqrt %add3A_233 : vector<1024x1xf32>
    %mul3A_235 = vector.broadcast %rsqrt3A_234 : vector<1024x1xf32> to vector<1024x512xf32>
    %mul3A_236 = arith.mulf %sub3A_230, %mul3A_235 : vector<1024x512xf32>
    %broadcast_in_dim3A_237 = vector.shape_cast %get3A_211 : vector<512xf32> to vector<1x512xf32>
    %mul3A_238 = vector.broadcast %broadcast_in_dim3A_237 : vector<1x512xf32> to vector<1024x512xf32>
    %mul3A_239 = arith.mulf %mul3A_236, %mul3A_238 : vector<1024x512xf32>
    %broadcast_in_dim3A_240 = vector.shape_cast %get3A_213 : vector<512xf32> to vector<1x512xf32>
    %add3A_241 = vector.broadcast %broadcast_in_dim3A_240 : vector<1x512xf32> to vector<1024x512xf32>
    %add3A_242 = arith.addf %mul3A_239, %add3A_241 : vector<1024x512xf32>
    %convert_element_type3A_243 = arith.truncf %add3A_242 : vector<1024x512xf32> to vector<1024x512xbf16>
    %get3A_244 = arith.constant 0 : index
    %get3A_245 = arith.constant 0 : index
    %get3A_246 = vector.load %arg14[%get3A_244, %get3A_245] : memref<512x2048xbf16, #tpu.memory_space<vmem>>, vector<512x2048xbf16>
    %dot_general3A_247 = arith.constant dense<0.000000e+00> : vector<1024x2048xf32>
    %dot_general3A_248 = tpu.matmul %convert_element_type3A_243, %get3A_246, %dot_general3A_247 {dimension_numbers = #tpu.dot_dimension_numbers<[1], [0], [0], [1], [0, 0, 1, 1], [], []>, transpose_lhs_hint = false} : vector<1024x512xbf16>, vector<512x2048xbf16>, vector<1024x2048xf32> -> vector<1024x2048xf32>
    %get3A_249 = arith.constant 0 : index
    %get3A_250 = vector.load %arg15[%get3A_249] : memref<2048xf32, #tpu.memory_space<vmem>>, vector<2048xf32>
    %broadcast_in_dim3A_251 = vector.shape_cast %get3A_250 : vector<2048xf32> to vector<1x2048xf32>
    %add3A_252 = vector.broadcast %broadcast_in_dim3A_251 : vector<1x2048xf32> to vector<1024x2048xf32>
    %add3A_253 = arith.addf %dot_general3A_248, %add3A_252 : vector<1024x2048xf32>
    %max3A = arith.constant 0.000000e+00 : f32
    %max3A_254 = vector.broadcast %max3A : f32 to vector<1024x2048xf32>
    %max3A_255 = arith.maximumf %add3A_253, %max3A_254 : vector<1024x2048xf32>
    %convert_element_type3A_256 = arith.truncf %max3A_255 : vector<1024x2048xf32> to vector<1024x2048xbf16>
    %get3A_257 = arith.constant 0 : index
    %get3A_258 = arith.constant 0 : index
    %get3A_259 = vector.load %arg16[%get3A_257, %get3A_258] : memref<2048x512xbf16, #tpu.memory_space<vmem>>, vector<2048x512xbf16>
    %dot_general3A_260 = arith.constant dense<0.000000e+00> : vector<1024x512xf32>
    %dot_general3A_261 = tpu.matmul %convert_element_type3A_256, %get3A_259, %dot_general3A_260 {dimension_numbers = #tpu.dot_dimension_numbers<[1], [0], [0], [1], [0, 0, 1, 1], [], []>, transpose_lhs_hint = false} : vector<1024x2048xbf16>, vector<2048x512xbf16>, vector<1024x512xf32> -> vector<1024x512xf32>
    %add3A_262 = arith.addf %add3A_209, %dot_general3A_261 : vector<1024x512xf32>
    %get3A_263 = arith.constant 0 : index
    %get3A_264 = vector.load %arg17[%get3A_263] : memref<512xf32, #tpu.memory_space<vmem>>, vector<512xf32>
    %broadcast_in_dim3A_265 = vector.shape_cast %get3A_264 : vector<512xf32> to vector<1x512xf32>
    %add3A_266 = vector.broadcast %broadcast_in_dim3A_265 : vector<1x512xf32> to vector<1024x512xf32>
    %add3A_267 = arith.addf %add3A_262, %add3A_266 : vector<1024x512xf32>
    %get3A_268 = arith.constant 0 : index
    %get3A_269 = vector.load %arg4[%get3A_268] : memref<512xf32, #tpu.memory_space<vmem>>, vector<512xf32>
    %get3A_270 = arith.constant 0 : index
    %get3A_271 = vector.load %arg5[%get3A_270] : memref<512xf32, #tpu.memory_space<vmem>>, vector<512xf32>
    %reduce_sum3A_272 = arith.constant dense<0.000000e+00> : vector<1024xf32>
    %reduce_sum3A_273 = vector.multi_reduction <add>, %add3A_267, %reduce_sum3A_272 [1] : vector<1024x512xf32> to vector<1024xf32>
    %broadcast_in_dim3A_274 = vector.shape_cast %reduce_sum3A_273 : vector<1024xf32> to vector<1024x1xf32>
    %div3A_275 = arith.constant 5.120000e+02 : f32
    %div3A_276 = vector.broadcast %div3A_275 : f32 to vector<1024x1xf32>
    %div3A_277 = arith.divf %broadcast_in_dim3A_274, %div3A_276 : vector<1024x1xf32>
    %sub3A_278 = vector.broadcast %div3A_277 : vector<1024x1xf32> to vector<1024x512xf32>
    %sub3A_279 = arith.subf %add3A_267, %sub3A_278 : vector<1024x512xf32>
    %integer_pow3A_280 = arith.mulf %sub3A_279, %sub3A_279 : vector<1024x512xf32>
    %reduce_sum3A_281 = arith.constant dense<0.000000e+00> : vector<1024xf32>
    %reduce_sum3A_282 = vector.multi_reduction <add>, %integer_pow3A_280, %reduce_sum3A_281 [1] : vector<1024x512xf32> to vector<1024xf32>
    %broadcast_in_dim3A_283 = vector.shape_cast %reduce_sum3A_282 : vector<1024xf32> to vector<1024x1xf32>
    %div3A_284 = arith.constant 5.120000e+02 : f32
    %div3A_285 = vector.broadcast %div3A_284 : f32 to vector<1024x1xf32>
    %div3A_286 = arith.divf %broadcast_in_dim3A_283, %div3A_285 : vector<1024x1xf32>
    %sub3A_287 = vector.broadcast %div3A_277 : vector<1024x1xf32> to vector<1024x512xf32>
    %sub3A_288 = arith.subf %add3A_267, %sub3A_287 : vector<1024x512xf32>
    %add3A_289 = arith.constant 9.99999974E-6 : f32
    %add3A_290 = vector.broadcast %add3A_289 : f32 to vector<1024x1xf32>
    %add3A_291 = arith.addf %div3A_286, %add3A_290 : vector<1024x1xf32>
    %rsqrt3A_292 = math.rsqrt %add3A_291 : vector<1024x1xf32>
    %mul3A_293 = vector.broadcast %rsqrt3A_292 : vector<1024x1xf32> to vector<1024x512xf32>
    %mul3A_294 = arith.mulf %sub3A_288, %mul3A_293 : vector<1024x512xf32>
    %broadcast_in_dim3A_295 = vector.shape_cast %get3A_269 : vector<512xf32> to vector<1x512xf32>
    %mul3A_296 = vector.broadcast %broadcast_in_dim3A_295 : vector<1x512xf32> to vector<1024x512xf32>
    %mul3A_297 = arith.mulf %mul3A_294, %mul3A_296 : vector<1024x512xf32>
    %broadcast_in_dim3A_298 = vector.shape_cast %get3A_271 : vector<512xf32> to vector<1x512xf32>
    %add3A_299 = vector.broadcast %broadcast_in_dim3A_298 : vector<1x512xf32> to vector<1024x512xf32>
    %add3A_300 = arith.addf %mul3A_297, %add3A_299 : vector<1024x512xf32>
    %dot_general3A_301 = arith.constant dense<0.000000e+00> : vector<1x512xf32>
    %dot_general3A_302 = tpu.matmul %get3A_13, %add3A_300, %dot_general3A_301 {dimension_numbers = #tpu.dot_dimension_numbers<[1], [0], [0], [1], [0, 0, 1, 1], [], []>, transpose_lhs_hint = false} : vector<1x1024xf32>, vector<1024x512xf32>, vector<1x512xf32> -> vector<1x512xf32>
    %reduce_sum3A_303 = vector.shape_cast %get3A_13 : vector<1x1024xf32> to vector<1x1x1024xf32>
    %reduce_sum3A_304 = arith.constant dense<0.000000e+00> : vector<1xf32>
    %reduce_sum3A_305 = vector.multi_reduction <add>, %reduce_sum3A_303, %reduce_sum3A_304 [1, 2] : vector<1x1x1024xf32> to vector<1xf32>
    %reduce_sum3A_306 = vector.shape_cast %reduce_sum3A_305 : vector<1xf32> to vector<1x1x1xf32>
    %reduce_sum3A_307 = vector.extract %reduce_sum3A_306[0, 0, 0] : f32 from vector<1x1x1xf32>
    %max3A_308 = arith.constant 1.000000e+00 : f32
    %max3A_309 = arith.maximumf %reduce_sum3A_307, %max3A_308 : f32
    %div3A_310 = arith.constant 1.000000e+00 : f32
    %div3A_311 = arith.divf %div3A_310, %max3A_309 : f32
    %mul3A_312 = vector.broadcast %div3A_311 : f32 to vector<1x512xf32>
    %mul3A_313 = arith.mulf %dot_general3A_302, %mul3A_312 : vector<1x512xf32>
    %swap3A = arith.constant 0 : index
    %swap3A_314 = arith.constant 0 : index
    %swap3A_315 = arith.constant 0 : index
    %swap3A_316 = vector.load %arg18[%swap3A, %swap3A_314, %swap3A_315] : memref<1x1x512xf32, #tpu.memory_space<vmem>>, vector<1x1x512xf32>
    %swap3A_317 = vector.shape_cast %swap3A_316 : vector<1x1x512xf32> to vector<1x512xf32>
    %swap3A_318 = vector.shape_cast %mul3A_313 : vector<1x512xf32> to vector<1x1x512xf32>
    tpu.vector_store %arg18[%swap3A, %swap3A_314, %swap3A_315], %swap3A_318 {strides = array<i32>} : memref<1x1x512xf32, #tpu.memory_space<vmem>>, vector<1x1x512xf32>,
    return
  }
  func.func @transform_0(%arg0: i32) -> (i32, i32, i32) {
    %c0_i32 = arith.constant 0 : i32
    %c0_i32_0 = arith.constant 0 : i32
    %c0_i32_1 = arith.constant 0 : i32
    return %arg0, %c0_i32, %c0_i32_0 : i32, i32, i32
  }
  func.func @transform_1(%arg0: i32) -> (i32, i32, i32) {
    %c0_i32 = arith.constant 0 : i32
    %c0_i32_0 = arith.constant 0 : i32
    %c0_i32_1 = arith.constant 0 : i32
    return %arg0, %c0_i32, %c0_i32_0 : i32, i32, i32
  }
  func.func @transform_2(%arg0: i32) -> (i32, i32, i32) {
    %c0_i32 = arith.constant 0 : i32
    %c0_i32_0 = arith.constant 0 : i32
    %c0_i32_1 = arith.constant 0 : i32
    return %arg0, %c0_i32, %c0_i32_0 : i32, i32, i32
  }
  func.func @transform_3(%arg0: i32) -> i32 {
    %c0_i32 = arith.constant 0 : i32
    %c0_i32_0 = arith.constant 0 : i32
    return %c0_i32 : i32
  }
  func.func @transform_4(%arg0: i32) -> i32 {
    %c0_i32 = arith.constant 0 : i32
    %c0_i32_0 = arith.constant 0 : i32
    return %c0_i32 : i32
  }
  func.func @transform_5(%arg0: i32) -> (i32, i32) {
    %c0_i32 = arith.constant 0 : i32
    %c0_i32_0 = arith.constant 0 : i32
    %c0_i32_1 = arith.constant 0 : i32
    return %c0_i32, %c0_i32_0 : i32, i32
  }
  func.func @transform_6(%arg0: i32) -> (i32, i32) {
    %c0_i32 = arith.constant 0 : i32
    %c0_i32_0 = arith.constant 0 : i32
    %c0_i32_1 = arith.constant 0 : i32
    return %c0_i32, %c0_i32_0 : i32, i32
  }
  func.func @transform_7(%arg0: i32) -> (i32, i32) {
    %c0_i32 = arith.constant 0 : i32
    %c0_i32_0 = arith.constant 0 : i32
    %c0_i32_1 = arith.constant 0 : i32
    return %c0_i32, %c0_i32_0 : i32, i32
  }
  func.func @transform_8(%arg0: i32) -> (i32, i32) {
    %c0_i32 = arith.constant 0 : i32
    %c0_i32_0 = arith.constant 0 : i32
    %c0_i32_1 = arith.constant 0 : i32
    return %c0_i32, %c0_i32_0 : i32, i32
  }
  func.func @transform_9(%arg0: i32) -> i32 {
    %c0_i32 = arith.constant 0 : i32
    %c0_i32_0 = arith.constant 0 : i32
    return %c0_i32 : i32
  }
  func.func @transform_10(%arg0: i32) -> i32 {
    %c0_i32 = arith.constant 0 : i32
    %c0_i32_0 = arith.constant 0 : i32
    return %c0_i32 : i32
  }
  func.func @transform_11(%arg0: i32) -> i32 {
    %c0_i32 = arith.constant 0 : i32
    %c0_i32_0 = arith.constant 0 : i32
    return %c0_i32 : i32
  }
  func.func @transform_12(%arg0: i32) -> i32 {
    %c0_i32 = arith.constant 0 : i32
    %c0_i32_0 = arith.constant 0 : i32
    return %c0_i32 : i32
  }
  func.func @transform_13(%arg0: i32) -> (i32, i32) {
    %c0_i32 = arith.constant 0 : i32
    %c0_i32_0 = arith.constant 0 : i32
    %c0_i32_1 = arith.constant 0 : i32
    return %c0_i32, %c0_i32_0 : i32, i32
  }
  func.func @transform_14(%arg0: i32) -> i32 {
    %c0_i32 = arith.constant 0 : i32
    %c0_i32_0 = arith.constant 0 : i32
    return %c0_i32 : i32
  }
  func.func @transform_15(%arg0: i32) -> (i32, i32) {
    %c0_i32 = arith.constant 0 : i32
    %c0_i32_0 = arith.constant 0 : i32
    %c0_i32_1 = arith.constant 0 : i32
    return %c0_i32, %c0_i32_0 : i32, i32
  }
  func.func @transform_16(%arg0: i32) -> i32 {
    %c0_i32 = arith.constant 0 : i32
    %c0_i32_0 = arith.constant 0 : i32
    return %c0_i32 : i32
  }
  func.func @transform_17(%arg0: i32) -> (i32, i32, i32) {
    %c0_i32 = arith.constant 0 : i32
    %c0_i32_0 = arith.constant 0 : i32
    %c0_i32_1 = arith.constant 0 : i32
    return %arg0, %c0_i32, %c0_i32_0 : i32, i32, i32
  }
}

</mosaic_0001>

<sc_bundles>
// kernel: kernel.7.cloned.1.call-start
scs
__scs_entry_jumppad:
0x0: {  	(pc) =	sbr.rel $0x88, $3  }
0x1: {  	(tag) =	ssettag $0x0;
	lr =	simm.s32 $0x1  }
0x2: {  	[smem:$0x3F90] =	sst lr;
	_ =	strace $0xD0000000  }
0x3: {  	_ = 	snop  }
0x4: {  	_ = 	snop  }
0x5: {  	_ = 	snop  }
0x6: {  	_ = 	snop  }
0x7: {  	_ = 	snop  }
__scs_overlays_trampoline_lowered:
0x8: {  	[smem:$0x3F9F] =	sst s0  }
0x9: {  	[smem:$0x3FA0] =	sst s1  }
0xa: {  	[smem:$0x3FA1] =	sst s2  }
0xb: {  	[smem:$0x3FA2] =	sst s3  }
0xc: {  	[smem:$0x3FA3] =	sst s4  }
0xd: {  	[smem:$0x3FA4] =	sst s5  }
0xe: {  	[smem:$0x3FA5] =	sst s6  }
0xf: {  	[smem:$0x3FA6] =	sst s7  }
0x10: {  	[smem:$0x3FA7] =	sst s8  }
0x11: {  	[smem:$0x3FA8] =	sst s9;
	s0 =	simm.s32 @!p0 $0x0  }
0x12: {  	s1 =	sld [smem:$0x3F8E];
	s0 =	simm.s32 @p0 $0x1  }
0x13: {  	[smem:$0x3FA9] =	sst s0;
	s0 =	simm.s32 @!p1 $0x0  }
0x14: {  	s2 =	sld [smem:$0x3F8D];
	s0 =	simm.s32 @p1 $0x1  }
0x15: {  	[smem:$0x3FAA] =	sst s0;
	s0 =	simm.s32 @!p2 $0x0  }
0x16: {  	s3 =	sld [smem:$0x3FDB];
	s0 =	simm.s32 @p2 $0x1  }
0x17: {  	s4 =	simm.s32 $0x1BF5;
	[smem:$0x3FAC] =	sst s0  }
0x18: {  	s0 =	sld [smem:$0x3F8F];
	_ =	swait.ge [sflag:s4], $0x0  }
0x19: {  	s7 =	sld [smem:$0x3F90]  }
0x1a: {  	s8 =	sadd.s32 $0xFFFFE003, lr  }
0x1b: {  	s9 =	sadd.s32 $0xFFFFFEF7, lr;
	s5 =	simm.s32 $0xFFFFFFFF;
	p2 =	slt.u32 s8, $0xFFFFF086  }
0x1c: {  	p1 =	slt.u32 s9, $0xF7A;
	s5 =	simm.s32 @!p2 $0x0  }
0x1d: {  	s5 =	simm.s32 @p1 $0x1;
	p0 =	seq.s32 s7, s2  }
0x1e: {  	s7 =	smul.u32 @!p0 $0xF7A, s2;
	p2 =	seq.s32 @!p0 s5, $0x0  }
0x1f: {  	s9 =	smul.u32 $0xF7A, s1;
	s8 =	simm.s32 @!p0 $0x1BF5;
	p2 =	por !p2, p0  }
0x20: {  	[sflag:s8] =	ssyncset.s32 @!p0 $0xFFFFF086;
	s6 =	sadd.s32 @!p0 s3, s7;
	s7 =	simm.s32 @!p0 $0x108  }
0x21: {  	s3 =	sadd.s32 s3, s9;
	s6 =	sadd.s32 @!p0 $0x88, s6;
	s7 =	simm.s32 @p2 $0x1082  }
0x22: {  	[simem:s7], [sflag:s8] =	dma.local @!p0 [hbm:s6], $0xF7A  }
0x23: {  	s9 =	sor.u32 $0xD0000000, s2;
	s6 =	simm.s32 $0x108;
	_ =	swait.ge @!p0 [sflag:s8], $0x0  }
0x24: {  	s3 =	sadd.s32 $0x88, s3;
	s6 =	simm.s32 @!p1 $0x1082;
	[sflag:s4] =	ssyncset.s32 $0xFFFFF086  }
0x25: {  	[simem:s6], [sflag:s4] =	dma.local [hbm:s3], $0xF7A  }
0x26: {  	[smem:$0x3F90] =	sst s1;
	(tag) =	ssettag s2;
	_ =	strace s9  }
0x27: {  	s1 =	sld [smem:$0x3FA0]  }
0x28: {  	s2 =	sld [smem:$0x3FA1]  }
0x29: {  	s4 =	sld [smem:$0x3FA3]  }
0x2a: {  	p0 =	seq.s32 s5, $0x0;
	s5 =	sld [smem:$0x3FA4]  }
0x2b: {  	s6 =	sld [smem:$0x3FA5]  }
0x2c: {  	s7 =	sld [smem:$0x3FA6]  }
0x2d: {  	s3 =	simm.s32 $0x108;
	s8 =	sld [smem:$0x3FA7]  }
0x2e: {  	s3 =	simm.s32 @!p0 $0x1082;
	s9 =	sld [smem:$0x3FA8]  }
0x2f: {  	lr =	sadd.s32 s0, s3;
	s0 =	sld [smem:$0x3F9F]  }
0x30: {  	s3 =	sld [smem:$0x3FA2]  }
0x31: {  	[smem:$0x3FAB] =	sst s10  }
0x32: {  	s10 =	sld [smem:$0x3FA9];
	_ =	sdelay $0x3  }
0x33: {  	p0 =	seq.s32 s10, $0x1;
	s10 =	sld [smem:$0x3FAB];
	_ =	sdelay $0x3  }
0x34: {  	[smem:$0x3FAB] =	sst s10  }
0x35: {  	s10 =	sld [smem:$0x3FAA];
	_ =	sdelay $0x3  }
0x36: {  	p1 =	seq.s32 s10, $0x1;
	s10 =	sld [smem:$0x3FAB];
	_ =	sdelay $0x3  }
0x37: {  	[smem:$0x3FAB] =	sst s10  }
0x38: {  	s10 =	sld [smem:$0x3FAC]  }
0x39: {  	_ = 	snop;
	(pc) =	sbr.ind lr, $3  }
0x3a: {  	_ = 	snop  }
0x3b: {  	_ = 	snop  }
0x3c: {  	p2 =	seq.s32 s10, $0x1;
	s10 =	sld [smem:$0x3FAB]  }
0x3d: {  	_ =	shalt  }
0x3e: {  	_ =	shalt  }
0x3f: {  	_ =	shalt  }
0x40: {  	_ =	shalt  }
0x41: {  	_ =	shalt  }
0x42: {  	_ =	shalt  }
0x43: {  	_ =	shalt  }
0x44: {  	_ =	shalt  }
0x45: {  	_ =	shalt  }
0x46: {  	_ =	shalt  }
0x47: {  	_ =	shalt  }
0x48: {  	_ =	shalt  }
0x49: {  	_ =	shalt  }
0x4a: {  	_ =	shalt  }
0x4b: {  	_ =	shalt  }
0x4c: {  	_ =	shalt  }
0x4d: {  	_ =	shalt  }
0x4e: {  	_ =	shalt  }
0x4f: {  	_ =	shalt  }
0x50: {  	_ =	shalt  }
0x51: {  	_ =	shalt  }
0x52: {  	_ =	shalt  }
0x53: {  	_ =	shalt  }
0x54: {  	_ =	shalt  }
0x55: {  	_ =	shalt  }
0x56: {  	_ =	shalt  }
0x57: {  	_ =	shalt  }
0x58: {  	_ =	shalt  }
0x59: {  	_ =	shalt  }
0x5a: {  	_ =	shalt  }
0x5b: {  	_ =	shalt  }
0x5c: {  	_ =	shalt  }
0x5d: {  	_ =	shalt  }
0x5e: {  	_ =	shalt  }
0x5f: {  	_ =	shalt  }
0x60: {  	_ =	shalt  }
0x61: {  	_ =	shalt  }
0x62: {  	_ =	shalt  }
0x63: {  	_ =	shalt  }
0x64: {  	_ =	shalt  }
0x65: {  	_ =	shalt  }
0x66: {  	_ =	shalt  }
0x67: {  	_ =	shalt  }
0x68: {  	_ =	shalt  }
0x69: {  	_ =	shalt  }
0x6a: {  	_ =	shalt  }
0x6b: {  	_ =	shalt  }
0x6c: {  	_ =	shalt  }
0x6d: {  	_ =	shalt  }
0x6e: {  	_ =	shalt  }
0x6f: {  	_ =	shalt  }
0x70: {  	_ =	shalt  }
0x71: {  	_ =	shalt  }
0x72: {  	_ =	shalt  }
0x73: {  	_ =	shalt  }
0x74: {  	_ =	shalt  }
0x75: {  	_ =	shalt  }
0x76: {  	_ =	shalt  }
0x77: {  	_ =	shalt  }
0x78: {  	_ =	shalt  }
0x79: {  	_ =	shalt  }
0x7a: {  	_ =	shalt  }
0x7b: {  	_ =	shalt  }
0x7c: {  	_ =	shalt  }
0x7d: {  	_ =	shalt  }
0x7e: {  	_ =	shalt  }
0x7f: {  	_ =	shalt  }
0x80: {  	_ =	shalt  }
0x81: {  	_ =	shalt  }
0x82: {  	_ =	shalt  }
0x83: {  	_ =	shalt  }
0x84: {  	_ =	shalt  }
0x85: {  	_ =	shalt  }
0x86: {  	_ =	shalt  }
0x87: {  	_ =	shalt  }
.Lfunc_end0:
.L_simem_size_0:
called_computation_lowered:
.L_overlay_start_0:
0x88: {  	s2 =	sld [smem:$0x3FD9]  }
0x89: {  	s3 =	sld [smem:$0x3FFE];
	_ =	sdelay $0x1  }
0x8a: {  	s1 =	srdreg.scid  }
0x8b: {  	s0 =	sand.u32 $0x1, s1  }
0x8c: {  	s17 =	sshll.u32 s0, $0xA;
	s2 =	sadd.s32 s3, s2  }
0x8d: {  	s2 =	sadd.s32 s2, s17  }
0x8e: {  	[smem:$0x3FB7] =	sst s2  }
0x8f: {  	_ = 	snop  }
0x90: {  	s2 =	sld [smem:$0x3FD0];
	(tm) =	ssettm $0x1  }
0x91: {  	s18 =	sld [smem:$0x3FFB];
	_ =	sdelay $0x3  }
0x92: {  	_ =	strace s18  }
0x93: {  	s3 =	sld [smem:$0x3FFC];
	_ =	sdelay $0x3  }
0x94: {  	_ =	strace s3  }
0x95: {  	s3 =	sld [smem:$0x3FFD];
	_ =	sdelay $0x3  }
0x96: {  	_ =	strace s3  }
0x97: {  	_ =	strace $0x8FFFFFFF  }
0x98: {  	s19 =	sld [smem:$0x3FDB];
	_ =	sdelay $0x1  }
0x99: {  	s4 =	simm.s32 $_scs_section_size  }
0x9a: {  	s5 =	simm.s32 $_size__tile_overlayer_lowered;
	s6 =	simm.s32 $_tile_overlayer_lowered  }
0x9b: {  	s22 =	simm.s32 $0x1BFF;
	s21 =	sshll.u32 s6, $0x1;
	s3 =	sadd.s32 s4, s19  }
0x9c: {  	s7 =	simm.s32 $0x0;
	s20 =	sshll.u32 s5, $0x1;
	s5 =	sadd.s32 s21, s3  }
0x9d: {  	[timem:s7], [sflag:s22] =	dma.local [hbm:s5], s20  }
0x9e: {  	_ =	swait.ge [sflag:s22], s20  }
0x9f: {  	s4 =	ssub.s32 $0x0, s20;
	[sflag:s22] =	ssyncset.done $0x0  }
0xa0: {  	[sflag:s22] =	ssyncadd.s32 s4;
	_ =	sdelay $0x1  }
0xa1: {  	s23 =	simm.s32 $0x1B8B  }
0xa2: {  	_ =	swait.ge [sflag:s23], $0x1  }
0xa3: {  	[sflag:s23] =	ssyncset.done $0x0  }
0xa4: {  	s25 =	simm.s32 $0x1B8E;
	s24 =	sld [smem:$0x3FFE];
	[sflag:s23] =	ssyncadd.s32 $0xFFFFFFFF  }
0xa5: {  	s26 =	simm.s32 $execute0_lowered;
	[smem:$0x3FD2] =	sst s25  }
0xa6: {  	s5 =	sshll.u32 s26, $0x1;
	_ =	strace $0x80000046;
	[dreg:$0x1] =	wrdreg $0xFFFFFFFF  }
0xa7: {  	s28 =	simm.s32 $_size_execute0_lowered;
	s3 =	sadd.s32 s3, s5;
	[dreg:$0x0] =	wrdreg $0x0  }
0xa8: {  	s5 =	sshll.u32 s28, $0x1;
	[dreg:$0x2] =	wrdreg s3  }
0xa9: {  	[dreg:$0x3] =	wrdreg s5  }
0xaa: {  	[dreg:$0x4] =	wrdreg $0xC0  }
0xab: {  	_ =	task [dreg:s7], $0x5FFFF  }
0xac: {  	[dreg:$0x1] =	wrdreg $0xFFFFFFFF  }
0xad: {  	[dreg:$0x0] =	wrdreg $0x60  }
0xae: {  	[dreg:$0x2] =	wrdreg s24  }
0xaf: {  	[dreg:$0x3] =	wrdreg s2  }
0xb0: {  	[dreg:$0x4] =	wrdreg $0x9  }
0xb1: {  	_ =	task.clear_ibuf [dreg:s7], $0x5FFFF;
	_ =	strace $0x90000046  }
0xb2: {  	s29 =	simm.s32 $0x9;
	_ =	strace $0x80000048  }
0xb3: {  	_ =	swait.ge [sflag:s29], $0x1  }
0xb4: {  	[sflag:s29] =	ssyncadd.s32 $0xFFFFFFFF  }
0xb5: {  	_ =	strace $0x90000048  }
0xb6: {  	_ =	sfence  }
0xb7: {  	s30 =	sld [smem:$0x0];
	_ =	sdelay $0x2  }
0xb8: {  	s31 =	sshll.u32 s1, $0xD;
	s1 =	sshrl.u32 s1, $0x2  }
0xb9: {  	s3 =	sand.u32 $0x4000, s31;
	s1 =	sadd.s32 s1, s30  }
0xba: {  	s0 =	sor.u32 s3, s0;
	s1 =	sshll.u32 s1, $0x11  }
0xbb: {  	s0 =	sor.u32 s1, s0  }
0xbc: {  	s0 =	sadd.s32 $0x8F2B, s0  }
0xbd: {  	[sflag:s0] =	ssyncadd.remote.s32 $0x1  }
0xbe: {  	_ =	sfence.sel $0xFFFF  }
0xbf: {  	[dreg:$0x0] =	wrdreg $0xFFFFFFFF;
	(pc) =	sbr.abs _section_cstart, $3  }
0xc0: {  	[dreg:$0x1] =	wrdreg $0xFFFFFFFF  }
0xc1: {  	_ =	task.clear_ibuf [dreg:s7], $0x2FFFF;
	_ =	strace $0x9FFFFFFF  }
0xc2: {  	(tm) =	ssettm $0x7FFFFFFF  }
0xc3: {  	_ =	shalt  }
tec
execute0_lowered:
.L_overlay_start_1:
0x0: {  	(tag) =	ssettag $0x1  }
0x1: {  	s1 =	stileid.u32  }
0x2: {  	p0 =	sgt.u32 s1, $0x1  }
.Ltmp0:
0x3: {  	_ = 	snop;
	(pc) =	sbr.rel @p0 .LBB2_5-.Ltmp0, $4  }
0x4: {  	s4 =	rddreg [dreg:$0x0]  }
0x5: {  	s2 =	rddreg [dreg:$0x1];
	s3 =	simm.s32 $0x0  }
0x6: {  	[smem:$0x7FF] =	sst s3  }
0x7: {  	s0 =	rddreg [dreg:$0x2];
	_ =	strace $0x80000047  }
0x8: {  	s5 =	srdreg.scid;
	s6 =	sshll.u32 s1, $0x5  }
0x9: {  	s8 =	sadd.s32 $0x5400, s4;
	s11 =	simm.s32 $0x1;
	s5 =	sand.u32 $0x1, s5  }
0xa: {  	s12 =	simm.s32 $0x2000;
	s7 =	sshll.u32 s5, $0x4;
	s9 =	ssub.s32 $0x2, s5  }
0xb: {  	s13 =	simm.s32 $0xA000;
	s7 =	sor.u32 s7, s6;
	s10 =	sshrl.u32 s9, $0x1  }
0xc: {  	s6 =	sadd.s32 s7, s4;
	s4 =	sadd.s32 $0x6400, s4;
	s9 =	ssub.s32 s9, s10  }
0xd: {  	s7 =	sadd.s32 s8, s7;
	s10 =	simm.s32 $0x200;
	s5 =	sadd.s32 $0x7600, s6  }
0xe: {  	v0 =	vimm.s32 $0x0;
	v1 =	vlaneseq.u32;
	v2 =	vimm.f32 $1.000000000e+00;
	s6 =	sadd.s32 $0x7400, s6;
	s8 =	smax.u32 s9, $0x1;
	s9 =	simm.s32 $0x80  }
.LBB2_2:
0xf: {  	s14 =	simm.s32 $0x0  }
0x10: {  	[tilespmem:s14], [sflag:$0x1] =	stream.strided.gather [hbm4b:s7+s9], $0x2000, s10, s9, $0x38;
	[tilespmem:$0xA400] =	vst v63  }
0x11: {  	_ =	swait.ge [sflag:s11], $0x2000  }
0x12: {  	[sflag:s11] =	ssyncset.done $0x0  }
0x13: {  	[sflag:s11] =	ssyncadd.s32 $0xFFFFE000  }
0x14: {  	[tilespmem:s12], [sflag:$0x1] =	stream.linear.gather [hbm4b:s4+s14], $0x8000, $0x38;
	[tilespmem:$0xA400] =	vst v63  }
0x15: {  	_ =	swait.ge [sflag:s11], $0x8000  }
0x16: {  	[sflag:s11] =	ssyncset.done $0x0  }
0x17: {  	[sflag:s11] =	ssyncadd.s32 $0xFFFF8000  }
0x18: {  	[tilespmem:s13], [sflag:$0x1] =	stream.linear.gather [hbm4b:s2+s14], $0x400, $0x38;
	[tilespmem:$0xA400] =	vst v63  }
0x19: {  	_ =	swait.ge [sflag:s11], $0x400  }
0x1a: {  	[sflag:s11] =	ssyncset.done $0x0  }
0x1b: {  	[sflag:s11] =	ssyncadd.s32 $0xFFFFFC00  }
0x1c: {  	v3 =	vld [tilespmem:s14+$0x0];
	_ =	sdelay $0x4  }
0x1d: {  	vm0 =	vgt.f32 v3, $5.000000000e-01  }
0x1e: {  	v5 =	vimm.s32 $0xFFFFFFFF;
	v3 =	vsel vm0, $0x1, v0  }
0x1f: {  	vm1 =	vne.s32 v5, v3  }
0x20: {  	v4 =	vsel vm1, $0x1, v0  }
0x21: {  	(xrf0) =	vadd.scan.msk.s32 $0xffff, v4;
	_ =	sdelay $0x5  }
0x22: {  	v6 =	vsel vm1, $0xFFFFFFFF, v0;
	v4, _, _ =	vpop (xrf0)  }
0x23: {  	v6 =	vadd.s32 s14, v6;
	(v2sf) =	vpush v4, $0xF  }
0x24: {  	v7 =	vsub.s32 s14, v0;
	vm2 =	vlt.u32 v5, $0x400;
	v6 =	vadd.s32 v4, v6  }
0x25: {  	vm2 =	vmand vm2, vm1;
	v4 =	vshll.u32 v5, $0x5;
	vm3 =	vlt.s32 v6, $0x400  }
0x26: {  	v8 =	vshll.u32 v6, $0x5;
	v4 =	vor.u32 $0x12, v4;
	vm3 =	vmand vm1, vm3  }
0x27: {  	v7 =	vcvt.s32.f32 v7;
	v9 =	vor.u32 v1, v8  }
0x28: {  	v10 =	vor.u32 $0x10, v8  }
0x29: {  	s15 =	scvt.s32.f32 s14;
	v7 =	vmul.f32 $1.953125000e-03, v7;
	v8 =	vor.u32 $0x11, v8;
	_ =	sdelay $0x1  }
0x2a: {  	s15 =	smul.f32 $1.956947150e-03, s15;
	[tilespmem:v4+s12+$0x0] =	vst.idx.msk vm2, v7  }
0x2b: {  	v4 =	vsel vm0, $0x3F800000, v0;
	[tilespmem:v9+s12+$0x0] =	vst.idx.msk vm3, v2  }
0x2c: {  	v7 =	vmov s15;
	[tilespmem:v10+s12+$0x0] =	vst.idx.msk vm3, v4  }
0x2d: {  	[tilespmem:v8+s12+$0x0] =	vst.idx.msk vm3, v7  }
0x2e: {  	s16 =	simm.s32 $0x10;
	[tilespmem:v6+s13+$0x0] =	vst.idx.msk vm3, v2  }
0x2f: {  	s15 =	simm.s32 $0x1;
	v4 =	vsel vm1, s14, v0;
	v8 =	vld [tilespmem:s16+$0x0]  }
0x30: {  	v5 =	vsel vm1, v6, v5;
	v7 =	vsub.s32 s15, v4  }
0x31: {  	s17 =	simm.s32 $0x2;
	v6 =	vcvt.s32.f32 v7;
	v7 =	vshll.u32 v5, $0x5;
	s18 =	spop (v2sf)  }
.LBB2_3:
0x32: {  	p0 =	sne.s32 s17, $0x1FF  }
0x33: {  	s14 =	sadd.s32 s14, s18;
	s18 =	smov.u32 s17;
	s17 =	sadd.s32 $0x1, s17  }
0x34: {  	vm0 =	vgt.f32 v8, $5.000000000e-01  }
0x35: {  	v8 =	vsel vm0, $0x1, v0  }
0x36: {  	vm1 =	vlt.u32 v5, $0x400;
	vm2 =	vne.s32 v3, v8;
	v3 =	vmov v8  }
0x37: {  	v8 =	vsel vm2, $0xFFFFFFFF, v0;
	v9 =	vsel vm2, $0x1, v0;
	vm1 =	vmand vm1, vm2  }
0x38: {  	v4 =	vsel vm2, s15, v4;
	(xrf0) =	vadd.scan.msk.s32 $0xffff, v9  }
0x39: {  	v9 =	vsub.s32 s18, v4  }
0x3a: {  	v9 =	vcvt.s32.f32 v9;
	_ =	sdelay $0x3  }
0x3b: {  	v8 =	vadd.s32 s14, v8;
	v10, _, _ =	vpop (xrf0)  }
0x3c: {  	v8 =	vadd.s32 v10, v8;
	(v2sf) =	vpush v10, $0xF  }
0x3d: {  	vm3 =	vlt.s32 v8, $0x400;
	v10 =	vshll.u32 v8, $0x5;
	v5 =	vsel vm2, v8, v5  }
0x3e: {  	v11 =	vor.u32 $0x12, v7;
	vm2 =	vmand vm2, vm3;
	v7 =	vshll.u32 v5, $0x5  }
0x3f: {  	v12 =	vor.u32 v1, v10  }
0x40: {  	v13 =	vor.u32 $0x10, v10  }
0x41: {  	v14 =	vmul.f32 $1.953125000e-03, v6;
	s19 =	scvt.s32.f32 s15;
	s15 =	smov.u32 s18;
	v6 =	vmov v9;
	v10 =	vor.u32 $0x11, v10;
	_ =	sdelay $0x1  }
0x42: {  	s18 =	smul.f32 $1.956947150e-03, s19;
	[tilespmem:v11+s12+$0x0] =	vst.idx.msk vm1, v14  }
0x43: {  	v9 =	vsel vm0, $0x3F800000, v0;
	[tilespmem:v12+s12+$0x0] =	vst.idx.msk vm2, v2  }
0x44: {  	[tilespmem:v13+s12+$0x0] =	vst.idx.msk vm2, v9;
	v9 =	vmov s18  }
0x45: {  	[tilespmem:v10+s12+$0x0] =	vst.idx.msk vm2, v9  }
.Ltmp1:
0x46: {  	s16 =	sadd.s32 $0x10, s16;
	[tilespmem:v8+s13+$0x0] =	vst.idx.msk vm2, v2;
	(pc) =	sbr.rel @p0 .LBB2_3-.Ltmp1, $2  }
0x47: {  	v8 =	vld [tilespmem:s16+$0x0];
	_ =	sdelay $0x2  }
0x48: {  	s18 =	spop (v2sf)  }
0x49: {  	_ = 	snop  }
0x4a: {  	vm0 =	vgt.f32 v8, $5.000000000e-01  }
0x4b: {  	v8 =	vsel vm0, $0x1, v0  }
0x4c: {  	vm1 =	vne.s32 v3, v8  }
0x4d: {  	v3 =	vsel vm1, $0x1, v0  }
0x4e: {  	(xrf0) =	vadd.scan.msk.s32 $0xffff, v3;
	_ =	sdelay $0x5  }
0x4f: {  	s14 =	sadd.s32 s14, s18;
	v8 =	vsel vm1, $0xFFFFFFFF, v0;
	v3, _, _ =	vpop (xrf0)  }
0x50: {  	v8 =	vadd.s32 s14, v8;
	(v2sf) =	vpush v3, $0xF  }
0x51: {  	vm2 =	vlt.u32 v5, $0x400;
	v3 =	vadd.s32 v3, v8  }
0x52: {  	vm2 =	vmand vm2, vm1;
	vm3 =	vlt.s32 v3, $0x400  }
0x53: {  	v7 =	vor.u32 $0x12, v7;
	v8 =	vshll.u32 v3, $0x5;
	vm3 =	vmand vm1, vm3  }
0x54: {  	v9 =	vor.u32 v1, v8  }
0x55: {  	v10 =	vor.u32 $0x10, v8  }
0x56: {  	v6 =	vmul.f32 $1.953125000e-03, v6;
	s30 =	scvt.s32.f32 s15;
	v61 =	vsel vm1, v3, v5;
	v8 =	vor.u32 $0x11, v8  }
0x57: {  	v4 =	vsel vm1, s15, v4;
	vm15 =	vlt.u32 v61, $0x400;
	v5 =	vshll.u32 v61, $0x5  }
0x58: {  	s14 =	smul.f32 $1.956947150e-03, s30;
	v4 =	vsub.s32 $0x200, v4;
	[tilespmem:v7+s12+$0x0] =	vst.idx.msk vm2, v6;
	v5 =	vor.u32 $0x12, v5  }
0x59: {  	v62 =	vsel vm0, $0x3F800000, v0;
	v4 =	vcvt.s32.f32 v4;
	[tilespmem:v9+s12+$0x0] =	vst.idx.msk vm3, v2  }
0x5a: {  	v63 =	vmov s14;
	[tilespmem:v10+s12+$0x0] =	vst.idx.msk vm3, v62  }
0x5b: {  	v4 =	vmul.f32 $1.953125000e-03, v4;
	[tilespmem:v8+s12+$0x0] =	vst.idx.msk vm3, v63  }
0x5c: {  	[tilespmem:v3+s13+$0x0] =	vst.idx.msk vm3, v2  }
0x5d: {  	[tilespmem:v5+s12+$0x0] =	vst.idx.msk vm15, v4  }
0x5e: {  	[hbm4b:s5+s9] =	stream.strided.scatter [tilespmem:s12], [sflag:$0x1], $0x8000, s10, s9, $0x38;
	[tilespmem:$0xA400] =	vst v63  }
0x5f: {  	s31 =	spop (v2sf)  }
0x60: {  	s3 =	sadd.s32 $0x1, s3;
	_ =	swait.ge [sflag:s11], $0x8000  }
0x61: {  	p0 =	sne.s32 s3, s8;
	[sflag:s11] =	ssyncset.done $0x0  }
.Ltmp2:
0x62: {  	[sflag:s11] =	ssyncadd.s32 $0xFFFF8000;
	(pc) =	sbr.rel @p0 .LBB2_2-.Ltmp2, $4  }
0x63: {  	[hbm4b:s6+s9] =	stream.strided.scatter [tilespmem:s13], [sflag:$0x1], $0x400, s10, s9, $0x38;
	[tilespmem:$0xA400] =	vst v63  }
0x64: {  	_ =	swait.ge [sflag:s11], $0x400  }
0x65: {  	[sflag:s11] =	ssyncset.done $0x0  }
0x66: {  	[sflag:s11] =	ssyncadd.s32 $0xFFFFFC00  }
.LBB2_5:
0x67: {  	_ =	sfence.sel $0x180000  }
0x68: {  	[bflag:$0x0] =	sbarrier.arrive $0xFFFF  }
0x69: {  	p0 =	sne.s32 s1, $0x0;
	_ =	strace $0x90000047  }
0x6a: {  	s0 =	sadd.s32 @!p0 $0x100000, s0;
	[bflag:$0x2] =	sbarrier.arrive $0xFFFF  }
0x6b: {  	[sflag:s0] =	ssyncadd.tile.s32 @!p0 $0x1;
	_ =	shalt  }
.Lfunc_end2:
_tile_overlayer_lowered:
.L_overlay_start_2:
0x6c: {  	(tag) =	ssettag $0x2  }
0x6d: {  	s0 =	rddreg [dreg:$0x0];
	s2 =	stileid.u32  }
0x6e: {  	s1 =	rddreg [dreg:$0x1];
	p0 =	sne.s32 s2, $0x0  }
0x6f: {  	s3 =	rddreg [dreg:$0x2];
	[bflag:$0x3] =	sbarrier.arrive $0xFFFF;
	s2 =	simm.s32 @!p0 $0x1C01  }
0x70: {  	[timem:s3], [sflag:s2] =	dma.local @!p0 [hbm:s0], s1  }
0x71: {  	s0 =	simm.s32 @!p0 $0x1  }
0x72: {  	_ =	swait.ge @!p0 [sflag:s0], s1  }
0x73: {  	s1 =	ssub.s32 @!p0 $0x0, s1;
	[sflag:s0] =	ssyncset.done @!p0 $0x0  }
0x74: {  	[sflag:s0] =	ssyncadd.s32 @!p0 s1  }
0x75: {  	[bflag:$0x3] =	sbarrier.arrive $0xFFFF  }
0x76: {  	_ =	shalt  }

</sc_bundles>
